<compile_context>
chip_gen: v7x
topology: tpu7x:2x2x1
jax: 0.10.2.dev20260603
libtpu: 0.0.44.dev20260713+nightly
codegen_flags: <defaults>
</compile_context>

<pallas_src>
import numpy as np
import jax
import jax.numpy as jnp
from jax.experimental import pallas as pl

_K_SPACE = [1, 64, 128, 256, 512, 1024, 2048]
_N_FIELDS = 26
_FIELD_DIM = 4000
_DIM = 128
_M = 16
_QS = _DIM // _M
_TEMPERATURE = 1.0
_THRESHOLD = 500
_BLK = 128


def _prior_mask_np():
    mask = np.full((_N_FIELDS, len(_K_SPACE)), -1e9, dtype=np.float32)
    for i in range(_N_FIELDS):
        if _FIELD_DIM < _THRESHOLD:
            mask[i, 0] = 0.0
        for k in range(1, len(_K_SPACE)):
            if _K_SPACE[k] * 2.5 > _FIELD_DIM:
                break
            mask[i, k] = 0.0
    return mask


_MASK = _prior_mask_np()
_ACTIVE = [k for k in range(len(_K_SPACE)) if (_MASK[:, k] == 0.0).any()]


def _fused_kernel(ap_ref, lw_ref, lb_ref, *refs):
    e_refs = refs[:-1]
    out_ref = refs[-1]
    z = ap_ref[...]
    z = z - jnp.max(z, axis=1, keepdims=True)
    ez = jnp.exp(z / _TEMPERATURE)
    prob = ez / jnp.sum(ez, axis=1, keepdims=True)
    acc = prob[None, :, _ACTIVE[0], None] * e_refs[0][...]
    for j, k in enumerate(_ACTIVE[1:], start=1):
        acc = acc + prob[None, :, k, None] * e_refs[j][...]
    s = jnp.sum(acc, axis=1)
    sq = jnp.sum(acc * acc, axis=1)
    fm = 0.5 * jnp.sum(s * s - sq, axis=1)
    lin = jnp.sum(lw_ref[...], axis=1) + lb_ref[0, 0]
    out_ref[...] = (fm + lin)[:, None]


@jax.jit
def kernel(x, arch_params, codes, table, codebooks, linear_w, linear_b):
    batch = x.shape[0]
    offsets = (jnp.arange(_N_FIELDS, dtype=jnp.int32) * _FIELD_DIM)[None, :]
    idx = x + offsets
    m_idx = jnp.arange(_M)[None, None, :]
    embs = []
    for k in _ACTIVE:
        ck = jnp.take(codes[k], idx, axis=0) % _K_SPACE[k]
        ek = codebooks[k][m_idx, ck].reshape(batch, _N_FIELDS, _DIM)
        embs.append(ek)
    lw = jnp.take(linear_w, idx, axis=0)
    lb = linear_b.reshape(1, 1)
    nblk = batch // _BLK

    e_spec = pl.BlockSpec((_BLK, _N_FIELDS, _DIM), lambda i: (i, 0, 0))
    out = pl.pallas_call(
        _fused_kernel,
        grid=(nblk,),
        in_specs=[
            pl.BlockSpec((_N_FIELDS, len(_K_SPACE)), lambda i: (0, 0)),
            pl.BlockSpec((_BLK, _N_FIELDS), lambda i: (i, 0)),
            pl.BlockSpec((1, 1), lambda i: (0, 0)),
        ] + [e_spec] * len(_ACTIVE),
        out_specs=pl.BlockSpec((_BLK, 1), lambda i: (i, 0)),
        out_shape=jax.ShapeDtypeStruct((batch, 1), jnp.float32),
    )(arch_params + jnp.asarray(_MASK), lw, lb, *embs)
    return out.reshape(batch)

# --- scband reference (transcript-rebuilt; emitter-appended) ---
"""Pipeline reference for scband-qfmgs-40759239639124 (READ-ONLY COPY).

The authoritative reference and input builder live on the scoring server;
editing this copy changes nothing except your own understanding.
"""

import jax, jax.numpy as jnp
import numpy as np

K_SPACE = [1, 64, 128, 256, 512, 1024, 2048]
N_FIELDS = 26
FIELD_DIM = 4000
TOTAL = N_FIELDS * FIELD_DIM
DIM = 128
M = 16
QS = DIM // M
KMAX = 2048
BATCH = 4096
TEMPERATURE = 1.0
THRESHOLD = 500


def _prior_mask():
    # Mirrors QFMgs.__init__ prior_flag logic: option usable iff flag == 1.
    mask = np.full((N_FIELDS, len(K_SPACE)), -1e9, dtype=np.float32)
    for i in range(N_FIELDS):
        if FIELD_DIM < THRESHOLD:
            mask[i, 0] = 0.0
        for k in range(1, len(K_SPACE)):
            if K_SPACE[k] * 2.5 > FIELD_DIM:
                break
            mask[i, k] = 0.0
    return jnp.asarray(mask)


def setup_inputs(seed: int = 0) -> dict:
    key = jax.random.key(seed)
    ks = jax.random.split(key, 7)
    x = jax.random.randint(ks[0], (BATCH, N_FIELDS), 0, FIELD_DIM, dtype=jnp.int32)
    arch_params = 0.5 + 0.001 * jax.random.normal(ks[1], (N_FIELDS, len(K_SPACE)), dtype=jnp.float32)
    codes = jax.random.randint(ks[2], (len(K_SPACE), TOTAL, M), 0, KMAX, dtype=jnp.int32)
    table = 0.01 * jax.random.normal(ks[3], (TOTAL, DIM), dtype=jnp.float32)
    codebooks = 0.01 * jax.random.normal(ks[4], (len(K_SPACE), M, KMAX, QS), dtype=jnp.float32)
    linear_w = 0.01 * jax.random.normal(ks[5], (TOTAL,), dtype=jnp.float32)
    linear_b = jnp.zeros((1,), dtype=jnp.float32)
    return {"x": x, "arch_params": arch_params, "codes": codes, "table": table,
            "codebooks": codebooks, "linear_w": linear_w, "linear_b": linear_b}


def reference(x, arch_params, codes, table, codebooks, linear_w, linear_b):
    # WeightedSumQuatEmbedding (share == 1): soft weighted sum over candidate
    # codebook sizes K_SPACE, masked by prior_flag, softmax over arch params.
    mask = _prior_mask()
    prob = jax.nn.softmax(arch_params / TEMPERATURE + mask, axis=1)  # [F, n_opts]
    offsets = (jnp.arange(N_FIELDS, dtype=jnp.int32) * FIELD_DIM)[None, :]
    idx = x + offsets  # [B, F] global feature ids
    # option 0: full-precision embedding row (K = 1 -> keep original)
    emb_full = jnp.take(table, idx, axis=0)  # [B, F, DIM]
    x_emb = prob[None, :, 0, None] * emb_full
    m_idx = jnp.arange(M)[None, None, :]
    for k in range(1, len(K_SPACE)):
        # product-quantization reconstruction with K_SPACE[k] codewords / subspace
        ck = jnp.take(codes[k], idx, axis=0) % K_SPACE[k]  # [B, F, M]
        emb_k = codebooks[k][m_idx, ck]  # [B, F, M, QS]
        emb_k = emb_k.reshape(idx.shape[0], N_FIELDS, DIM)
        x_emb = x_emb + prob[None, :, k, None] * emb_k
    # FeaturesLinear
    lin = jnp.sum(jnp.take(linear_w, idx, axis=0), axis=1, keepdims=True) + linear_b  # [B, 1]
    # FactorizationMachine(reduce_sum=True)
    square_of_sum = jnp.sum(x_emb, axis=1) ** 2
    sum_of_square = jnp.sum(x_emb ** 2, axis=1)
    fm = 0.5 * jnp.sum(square_of_sum - sum_of_square, axis=1, keepdims=True)  # [B, 1]
    return (lin + fm).squeeze(1)  # [B]

if __name__ == "__main__":
    import jax
    _d = setup_inputs()
    print(jax.jit(kernel)(*tuple(_d.values())))

</pallas_src>

<mosaic_0001>
module attributes {stable_mosaic.version = 14 : i64} {
  func.func @_fused_kernel(%arg0: i32, %arg1: memref<26x7xf32, #tpu.memory_space<vmem>>, %arg2: memref<128x26xf32, #tpu.memory_space<vmem>>, %arg3: memref<1x1xf32, #tpu.memory_space<vmem>>, %arg4: memref<128x26x128xf32, #tpu.memory_space<vmem>>, %arg5: memref<128x26x128xf32, #tpu.memory_space<vmem>>, %arg6: memref<128x26x128xf32, #tpu.memory_space<vmem>>, %arg7: memref<128x26x128xf32, #tpu.memory_space<vmem>>, %arg8: memref<128x26x128xf32, #tpu.memory_space<vmem>>, %arg9: memref<128x1xf32, #tpu.memory_space<vmem>>) attributes {dimension_semantics = [#tpu.dimension_semantics<arbitrary>], iteration_bounds = array<i64: 32>, scalar_prefetch = 0 : i64, scratch_operands = 0 : i64, tpu.core_type = #tpu.core_type<tc>, window_params = [{pipeline_mode = #tpu.pipeline_mode<synchronous>, transform_indices = @transform_0, window_bounds = array<i64: 26, 7>}, {transform_indices = @transform_1, window_bounds = array<i64: 128, 26>}, {pipeline_mode = #tpu.pipeline_mode<synchronous>, transform_indices = @transform_2, window_bounds = array<i64: 1, 1>}, {transform_indices = @transform_3, window_bounds = array<i64: 128, 26, 128>}, {transform_indices = @transform_4, window_bounds = array<i64: 128, 26, 128>}, {transform_indices = @transform_5, window_bounds = array<i64: 128, 26, 128>}, {transform_indices = @transform_6, window_bounds = array<i64: 128, 26, 128>}, {transform_indices = @transform_7, window_bounds = array<i64: 128, 26, 128>}, {transform_indices = @transform_8, window_bounds = array<i64: 128, 1>}]} {
    %get3A = arith.constant 0 : index
    %get3A_0 = arith.constant 0 : index
    %get3A_1 = vector.load %arg1[%get3A, %get3A_0] : memref<26x7xf32, #tpu.memory_space<vmem>>, vector<26x7xf32>
    %reduce_max3A = arith.constant dense<0xFF800000> : vector<26xf32>
    %reduce_max3A_2 = vector.multi_reduction <maximumf>, %get3A_1, %reduce_max3A [1] : vector<26x7xf32> to vector<26xf32>
    %broadcast_in_dim3A = vector.shape_cast %reduce_max3A_2 : vector<26xf32> to vector<26x1xf32>
    %sub3A = vector.broadcast %broadcast_in_dim3A : vector<26x1xf32> to vector<26x7xf32>
    %sub3A_3 = arith.subf %get3A_1, %sub3A : vector<26x7xf32>
    %div3A = arith.constant 1.000000e+00 : f32
    %div3A_4 = vector.broadcast %div3A : f32 to vector<26x7xf32>
    %div3A_5 = arith.divf %sub3A_3, %div3A_4 : vector<26x7xf32>
    %exp3A = math.exp %div3A_5 : vector<26x7xf32>
    %reduce_sum3A = arith.constant dense<0.000000e+00> : vector<26xf32>
    %reduce_sum3A_6 = vector.multi_reduction <add>, %exp3A, %reduce_sum3A [1] : vector<26x7xf32> to vector<26xf32>
    %broadcast_in_dim3A_7 = vector.shape_cast %reduce_sum3A_6 : vector<26xf32> to vector<26x1xf32>
    %div3A_8 = vector.broadcast %broadcast_in_dim3A_7 : vector<26x1xf32> to vector<26x7xf32>
    %div3A_9 = arith.divf %exp3A, %div3A_8 : vector<26x7xf32>
    %slice3A = vector.extract_strided_slice %div3A_9 {offsets = [0, 1], sizes = [26, 1], strides = [1, 1]} : vector<26x7xf32> to vector<26x1xf32>
    %squeeze3A = vector.shape_cast %slice3A : vector<26x1xf32> to vector<26xf32>
    %broadcast_in_dim3A_10 = vector.shape_cast %squeeze3A : vector<26xf32> to vector<1x26x1xf32>
    %get3A_11 = arith.constant 0 : index
    %get3A_12 = arith.constant 0 : index
    %get3A_13 = arith.constant 0 : index
    %get3A_14 = vector.load %arg4[%get3A_11, %get3A_12, %get3A_13] : memref<128x26x128xf32, #tpu.memory_space<vmem>>, vector<128x26x128xf32>
    %mul3A = vector.broadcast %broadcast_in_dim3A_10 : vector<1x26x1xf32> to vector<128x26x128xf32>
    %mul3A_15 = arith.mulf %mul3A, %get3A_14 : vector<128x26x128xf32>
    %slice3A_16 = vector.extract_strided_slice %div3A_9 {offsets = [0, 2], sizes = [26, 1], strides = [1, 1]} : vector<26x7xf32> to vector<26x1xf32>
    %squeeze3A_17 = vector.shape_cast %slice3A_16 : vector<26x1xf32> to vector<26xf32>
    %broadcast_in_dim3A_18 = vector.shape_cast %squeeze3A_17 : vector<26xf32> to vector<1x26x1xf32>
    %get3A_19 = arith.constant 0 : index
    %get3A_20 = arith.constant 0 : index
    %get3A_21 = arith.constant 0 : index
    %get3A_22 = vector.load %arg5[%get3A_19, %get3A_20, %get3A_21] : memref<128x26x128xf32, #tpu.memory_space<vmem>>, vector<128x26x128xf32>
    %mul3A_23 = vector.broadcast %broadcast_in_dim3A_18 : vector<1x26x1xf32> to vector<128x26x128xf32>
    %mul3A_24 = arith.mulf %mul3A_23, %get3A_22 : vector<128x26x128xf32>
    %add3A = arith.addf %mul3A_15, %mul3A_24 : vector<128x26x128xf32>
    %slice3A_25 = vector.extract_strided_slice %div3A_9 {offsets = [0, 3], sizes = [26, 1], strides = [1, 1]} : vector<26x7xf32> to vector<26x1xf32>
    %squeeze3A_26 = vector.shape_cast %slice3A_25 : vector<26x1xf32> to vector<26xf32>
    %broadcast_in_dim3A_27 = vector.shape_cast %squeeze3A_26 : vector<26xf32> to vector<1x26x1xf32>
    %get3A_28 = arith.constant 0 : index
    %get3A_29 = arith.constant 0 : index
    %get3A_30 = arith.constant 0 : index
    %get3A_31 = vector.load %arg6[%get3A_28, %get3A_29, %get3A_30] : memref<128x26x128xf32, #tpu.memory_space<vmem>>, vector<128x26x128xf32>
    %mul3A_32 = vector.broadcast %broadcast_in_dim3A_27 : vector<1x26x1xf32> to vector<128x26x128xf32>
    %mul3A_33 = arith.mulf %mul3A_32, %get3A_31 : vector<128x26x128xf32>
    %add3A_34 = arith.addf %add3A, %mul3A_33 : vector<128x26x128xf32>
    %slice3A_35 = vector.extract_strided_slice %div3A_9 {offsets = [0, 4], sizes = [26, 1], strides = [1, 1]} : vector<26x7xf32> to vector<26x1xf32>
    %squeeze3A_36 = vector.shape_cast %slice3A_35 : vector<26x1xf32> to vector<26xf32>
    %broadcast_in_dim3A_37 = vector.shape_cast %squeeze3A_36 : vector<26xf32> to vector<1x26x1xf32>
    %get3A_38 = arith.constant 0 : index
    %get3A_39 = arith.constant 0 : index
    %get3A_40 = arith.constant 0 : index
    %get3A_41 = vector.load %arg7[%get3A_38, %get3A_39, %get3A_40] : memref<128x26x128xf32, #tpu.memory_space<vmem>>, vector<128x26x128xf32>
    %mul3A_42 = vector.broadcast %broadcast_in_dim3A_37 : vector<1x26x1xf32> to vector<128x26x128xf32>
    %mul3A_43 = arith.mulf %mul3A_42, %get3A_41 : vector<128x26x128xf32>
    %add3A_44 = arith.addf %add3A_34, %mul3A_43 : vector<128x26x128xf32>
    %slice3A_45 = vector.extract_strided_slice %div3A_9 {offsets = [0, 5], sizes = [26, 1], strides = [1, 1]} : vector<26x7xf32> to vector<26x1xf32>
    %squeeze3A_46 = vector.shape_cast %slice3A_45 : vector<26x1xf32> to vector<26xf32>
    %broadcast_in_dim3A_47 = vector.shape_cast %squeeze3A_46 : vector<26xf32> to vector<1x26x1xf32>
    %get3A_48 = arith.constant 0 : index
    %get3A_49 = arith.constant 0 : index
    %get3A_50 = arith.constant 0 : index
    %get3A_51 = vector.load %arg8[%get3A_48, %get3A_49, %get3A_50] : memref<128x26x128xf32, #tpu.memory_space<vmem>>, vector<128x26x128xf32>
    %mul3A_52 = vector.broadcast %broadcast_in_dim3A_47 : vector<1x26x1xf32> to vector<128x26x128xf32>
    %mul3A_53 = arith.mulf %mul3A_52, %get3A_51 : vector<128x26x128xf32>
    %add3A_54 = arith.addf %add3A_44, %mul3A_53 : vector<128x26x128xf32>
    %reduce_sum3A_55 = arith.constant dense<0.000000e+00> : vector<128x128xf32>
    %reduce_sum3A_56 = vector.multi_reduction <add>, %add3A_54, %reduce_sum3A_55 [1] : vector<128x26x128xf32> to vector<128x128xf32>
    %mul3A_57 = arith.mulf %add3A_54, %add3A_54 : vector<128x26x128xf32>
    %reduce_sum3A_58 = arith.constant dense<0.000000e+00> : vector<128x128xf32>
    %reduce_sum3A_59 = vector.multi_reduction <add>, %mul3A_57, %reduce_sum3A_58 [1] : vector<128x26x128xf32> to vector<128x128xf32>
    %mul3A_60 = arith.mulf %reduce_sum3A_56, %reduce_sum3A_56 : vector<128x128xf32>
    %sub3A_61 = arith.subf %mul3A_60, %reduce_sum3A_59 : vector<128x128xf32>
    %reduce_sum3A_62 = arith.constant dense<0.000000e+00> : vector<128xf32>
    %reduce_sum3A_63 = vector.multi_reduction <add>, %sub3A_61, %reduce_sum3A_62 [1] : vector<128x128xf32> to vector<128xf32>
    %mul3A_64 = arith.constant 5.000000e-01 : f32
    %mul3A_65 = vector.broadcast %mul3A_64 : f32 to vector<128xf32>
    %mul3A_66 = arith.mulf %mul3A_65, %reduce_sum3A_63 : vector<128xf32>
    %get3A_67 = arith.constant 0 : index
    %get3A_68 = arith.constant 0 : index
    %get3A_69 = vector.load %arg2[%get3A_67, %get3A_68] : memref<128x26xf32, #tpu.memory_space<vmem>>, vector<128x26xf32>
    %reduce_sum3A_70 = arith.constant dense<0.000000e+00> : vector<128xf32>
    %reduce_sum3A_71 = vector.multi_reduction <add>, %get3A_69, %reduce_sum3A_70 [1] : vector<128x26xf32> to vector<128xf32>
    %get3A_72 = arith.constant 0 : index
    %get3A_73 = arith.constant 0 : index
    %get3A_74 = vector.load %arg3[%get3A_72, %get3A_73] : memref<1x1xf32, #tpu.memory_space<vmem>>, vector<1x1xf32>
    %get3A_75 = vector.extract %get3A_74[0, 0] : f32 from vector<1x1xf32>
    %add3A_76 = vector.broadcast %get3A_75 : f32 to vector<128xf32>
    %add3A_77 = arith.addf %reduce_sum3A_71, %add3A_76 : vector<128xf32>
    %add3A_78 = arith.addf %mul3A_66, %add3A_77 : vector<128xf32>
    %broadcast_in_dim3A_79 = vector.shape_cast %add3A_78 : vector<128xf32> to vector<128x1xf32>
    %swap3A = arith.constant 0 : index
    %swap3A_80 = arith.constant 0 : index
    %swap3A_81 = vector.load %arg9[%swap3A, %swap3A_80] : memref<128x1xf32, #tpu.memory_space<vmem>>, vector<128x1xf32>
    tpu.vector_store %arg9[%swap3A, %swap3A_80], %broadcast_in_dim3A_79 {strides = array<i32>} : memref<128x1xf32, #tpu.memory_space<vmem>>, vector<128x1xf32>,
    return
  }
  func.func @transform_0(%arg0: i32) -> (i32, i32) {
    %c0_i32 = arith.constant 0 : i32
    %c0_i32_0 = arith.constant 0 : i32
    %c0_i32_1 = arith.constant 0 : i32
    return %c0_i32, %c0_i32_0 : i32, i32
  }
  func.func @transform_1(%arg0: i32) -> (i32, i32) {
    %c0_i32 = arith.constant 0 : i32
    %c0_i32_0 = arith.constant 0 : i32
    return %arg0, %c0_i32 : i32, i32
  }
  func.func @transform_2(%arg0: i32) -> (i32, i32) {
    %c0_i32 = arith.constant 0 : i32
    %c0_i32_0 = arith.constant 0 : i32
    %c0_i32_1 = arith.constant 0 : i32
    return %c0_i32, %c0_i32_0 : i32, i32
  }
  func.func @transform_3(%arg0: i32) -> (i32, i32, i32) {
    %c0_i32 = arith.constant 0 : i32
    %c0_i32_0 = arith.constant 0 : i32
    %c0_i32_1 = arith.constant 0 : i32
    return %arg0, %c0_i32, %c0_i32_0 : i32, i32, i32
  }
  func.func @transform_4(%arg0: i32) -> (i32, i32, i32) {
    %c0_i32 = arith.constant 0 : i32
    %c0_i32_0 = arith.constant 0 : i32
    %c0_i32_1 = arith.constant 0 : i32
    return %arg0, %c0_i32, %c0_i32_0 : i32, i32, i32
  }
  func.func @transform_5(%arg0: i32) -> (i32, i32, i32) {
    %c0_i32 = arith.constant 0 : i32
    %c0_i32_0 = arith.constant 0 : i32
    %c0_i32_1 = arith.constant 0 : i32
    return %arg0, %c0_i32, %c0_i32_0 : i32, i32, i32
  }
  func.func @transform_6(%arg0: i32) -> (i32, i32, i32) {
    %c0_i32 = arith.constant 0 : i32
    %c0_i32_0 = arith.constant 0 : i32
    %c0_i32_1 = arith.constant 0 : i32
    return %arg0, %c0_i32, %c0_i32_0 : i32, i32, i32
  }
  func.func @transform_7(%arg0: i32) -> (i32, i32, i32) {
    %c0_i32 = arith.constant 0 : i32
    %c0_i32_0 = arith.constant 0 : i32
    %c0_i32_1 = arith.constant 0 : i32
    return %arg0, %c0_i32, %c0_i32_0 : i32, i32, i32
  }
  func.func @transform_8(%arg0: i32) -> (i32, i32) {
    %c0_i32 = arith.constant 0 : i32
    %c0_i32_0 = arith.constant 0 : i32
    return %arg0, %c0_i32 : i32, i32
  }
}

</mosaic_0001>

<sc_bundles>
// kernel: gather_offload_async_start.1
scs
__scs_entry_jumppad:
0x0: {  	(pc) =	sbr.rel $0x88, $3  }
0x1: {  	(tag) =	ssettag $0x0;
	lr =	simm.s32 $0x1  }
0x2: {  	[smem:$0x3F9B] =	sst lr;
	_ =	strace $0xD0000000  }
0x3: {  	_ = 	snop  }
0x4: {  	_ = 	snop  }
0x5: {  	_ = 	snop  }
0x6: {  	_ = 	snop  }
0x7: {  	_ = 	snop  }
__scs_overlays_trampoline_lowered:
0x8: {  	[smem:$0x3FAA] =	sst s0  }
0x9: {  	[smem:$0x3FAB] =	sst s1  }
0xa: {  	[smem:$0x3FAC] =	sst s2  }
0xb: {  	[smem:$0x3FAD] =	sst s3  }
0xc: {  	[smem:$0x3FAE] =	sst s4  }
0xd: {  	[smem:$0x3FAF] =	sst s5  }
0xe: {  	[smem:$0x3FB0] =	sst s6  }
0xf: {  	[smem:$0x3FB1] =	sst s7  }
0x10: {  	[smem:$0x3FB2] =	sst s8  }
0x11: {  	[smem:$0x3FB3] =	sst s9;
	s0 =	simm.s32 @!p0 $0x0  }
0x12: {  	s1 =	sld [smem:$0x3F99];
	s0 =	simm.s32 @p0 $0x1  }
0x13: {  	[smem:$0x3FB4] =	sst s0;
	s0 =	simm.s32 @!p1 $0x0  }
0x14: {  	s2 =	sld [smem:$0x3F98];
	s0 =	simm.s32 @p1 $0x1  }
0x15: {  	[smem:$0x3FB5] =	sst s0;
	s0 =	simm.s32 @!p2 $0x0  }
0x16: {  	s3 =	sld [smem:$0x3FDB];
	s0 =	simm.s32 @p2 $0x1  }
0x17: {  	s4 =	simm.s32 $0x1BF5;
	[smem:$0x3FB7] =	sst s0  }
0x18: {  	s0 =	sld [smem:$0x3F9A];
	_ =	swait.ge [sflag:s4], $0x0  }
0x19: {  	s7 =	sld [smem:$0x3F9B]  }
0x1a: {  	s8 =	sadd.s32 $0xFFFFE003, lr  }
0x1b: {  	s9 =	sadd.s32 $0xFFFFFEF7, lr;
	s5 =	simm.s32 $0xFFFFFFFF;
	p2 =	slt.u32 s8, $0xFFFFF086  }
0x1c: {  	p1 =	slt.u32 s9, $0xF7A;
	s5 =	simm.s32 @!p2 $0x0  }
0x1d: {  	s5 =	simm.s32 @p1 $0x1;
	p0 =	seq.s32 s7, s2  }
0x1e: {  	s7 =	smul.u32 @!p0 $0xF7A, s2;
	p2 =	seq.s32 @!p0 s5, $0x0  }
0x1f: {  	s9 =	smul.u32 $0xF7A, s1;
	s8 =	simm.s32 @!p0 $0x1BF5;
	p2 =	por !p2, p0  }
0x20: {  	[sflag:s8] =	ssyncset.s32 @!p0 $0xFFFFF086;
	s6 =	sadd.s32 @!p0 s3, s7;
	s7 =	simm.s32 @!p0 $0x108  }
0x21: {  	s3 =	sadd.s32 s3, s9;
	s6 =	sadd.s32 @!p0 $0x88, s6;
	s7 =	simm.s32 @p2 $0x1082  }
0x22: {  	[simem:s7], [sflag:s8] =	dma.local @!p0 [hbm:s6], $0xF7A  }
0x23: {  	s9 =	sor.u32 $0xD0000000, s2;
	s6 =	simm.s32 $0x108;
	_ =	swait.ge @!p0 [sflag:s8], $0x0  }
0x24: {  	s3 =	sadd.s32 $0x88, s3;
	s6 =	simm.s32 @!p1 $0x1082;
	[sflag:s4] =	ssyncset.s32 $0xFFFFF086  }
0x25: {  	[simem:s6], [sflag:s4] =	dma.local [hbm:s3], $0xF7A  }
0x26: {  	[smem:$0x3F9B] =	sst s1;
	(tag) =	ssettag s2;
	_ =	strace s9  }
0x27: {  	s1 =	sld [smem:$0x3FAB]  }
0x28: {  	s2 =	sld [smem:$0x3FAC]  }
0x29: {  	s4 =	sld [smem:$0x3FAE]  }
0x2a: {  	p0 =	seq.s32 s5, $0x0;
	s5 =	sld [smem:$0x3FAF]  }
0x2b: {  	s6 =	sld [smem:$0x3FB0]  }
0x2c: {  	s7 =	sld [smem:$0x3FB1]  }
0x2d: {  	s3 =	simm.s32 $0x108;
	s8 =	sld [smem:$0x3FB2]  }
0x2e: {  	s3 =	simm.s32 @!p0 $0x1082;
	s9 =	sld [smem:$0x3FB3]  }
0x2f: {  	lr =	sadd.s32 s0, s3;
	s0 =	sld [smem:$0x3FAA]  }
0x30: {  	s3 =	sld [smem:$0x3FAD]  }
0x31: {  	[smem:$0x3FB6] =	sst s10  }
0x32: {  	s10 =	sld [smem:$0x3FB4];
	_ =	sdelay $0x3  }
0x33: {  	p0 =	seq.s32 s10, $0x1;
	s10 =	sld [smem:$0x3FB6];
	_ =	sdelay $0x3  }
0x34: {  	[smem:$0x3FB6] =	sst s10  }
0x35: {  	s10 =	sld [smem:$0x3FB5];
	_ =	sdelay $0x3  }
0x36: {  	p1 =	seq.s32 s10, $0x1;
	s10 =	sld [smem:$0x3FB6];
	_ =	sdelay $0x3  }
0x37: {  	[smem:$0x3FB6] =	sst s10  }
0x38: {  	s10 =	sld [smem:$0x3FB7]  }
0x39: {  	_ = 	snop;
	(pc) =	sbr.ind lr, $3  }
0x3a: {  	_ = 	snop  }
0x3b: {  	_ = 	snop  }
0x3c: {  	p2 =	seq.s32 s10, $0x1;
	s10 =	sld [smem:$0x3FB6]  }
0x3d: {  	_ =	shalt  }
0x3e: {  	_ =	shalt  }
0x3f: {  	_ =	shalt  }
0x40: {  	_ =	shalt  }
0x41: {  	_ =	shalt  }
0x42: {  	_ =	shalt  }
0x43: {  	_ =	shalt  }
0x44: {  	_ =	shalt  }
0x45: {  	_ =	shalt  }
0x46: {  	_ =	shalt  }
0x47: {  	_ =	shalt  }
0x48: {  	_ =	shalt  }
0x49: {  	_ =	shalt  }
0x4a: {  	_ =	shalt  }
0x4b: {  	_ =	shalt  }
0x4c: {  	_ =	shalt  }
0x4d: {  	_ =	shalt  }
0x4e: {  	_ =	shalt  }
0x4f: {  	_ =	shalt  }
0x50: {  	_ =	shalt  }
0x51: {  	_ =	shalt  }
0x52: {  	_ =	shalt  }
0x53: {  	_ =	shalt  }
0x54: {  	_ =	shalt  }
0x55: {  	_ =	shalt  }
0x56: {  	_ =	shalt  }
0x57: {  	_ =	shalt  }
0x58: {  	_ =	shalt  }
0x59: {  	_ =	shalt  }
0x5a: {  	_ =	shalt  }
0x5b: {  	_ =	shalt  }
0x5c: {  	_ =	shalt  }
0x5d: {  	_ =	shalt  }
0x5e: {  	_ =	shalt  }
0x5f: {  	_ =	shalt  }
0x60: {  	_ =	shalt  }
0x61: {  	_ =	shalt  }
0x62: {  	_ =	shalt  }
0x63: {  	_ =	shalt  }
0x64: {  	_ =	shalt  }
0x65: {  	_ =	shalt  }
0x66: {  	_ =	shalt  }
0x67: {  	_ =	shalt  }
0x68: {  	_ =	shalt  }
0x69: {  	_ =	shalt  }
0x6a: {  	_ =	shalt  }
0x6b: {  	_ =	shalt  }
0x6c: {  	_ =	shalt  }
0x6d: {  	_ =	shalt  }
0x6e: {  	_ =	shalt  }
0x6f: {  	_ =	shalt  }
0x70: {  	_ =	shalt  }
0x71: {  	_ =	shalt  }
0x72: {  	_ =	shalt  }
0x73: {  	_ =	shalt  }
0x74: {  	_ =	shalt  }
0x75: {  	_ =	shalt  }
0x76: {  	_ =	shalt  }
0x77: {  	_ =	shalt  }
0x78: {  	_ =	shalt  }
0x79: {  	_ =	shalt  }
0x7a: {  	_ =	shalt  }
0x7b: {  	_ =	shalt  }
0x7c: {  	_ =	shalt  }
0x7d: {  	_ =	shalt  }
0x7e: {  	_ =	shalt  }
0x7f: {  	_ =	shalt  }
0x80: {  	_ =	shalt  }
0x81: {  	_ =	shalt  }
0x82: {  	_ =	shalt  }
0x83: {  	_ =	shalt  }
0x84: {  	_ =	shalt  }
0x85: {  	_ =	shalt  }
0x86: {  	_ =	shalt  }
0x87: {  	_ =	shalt  }
.Lfunc_end0:
.L_simem_size_0:
called_computation.1_lowered:
.L_overlay_start_0:
0x88: {  	s2 =	sld [smem:$0x3FD9]  }
0x89: {  	s3 =	sld [smem:$0x3FFE];
	_ =	sdelay $0x1  }
0x8a: {  	s1 =	srdreg.scid  }
0x8b: {  	s0 =	sand.u32 $0x1, s1  }
0x8c: {  	s17 =	sshll.u32 s0, $0xA;
	s2 =	sadd.s32 s3, s2  }
0x8d: {  	s2 =	sadd.s32 s2, s17  }
0x8e: {  	[smem:$0x3FC2] =	sst s2  }
0x8f: {  	_ = 	snop  }
0x90: {  	(tm) =	ssettm $0x1  }
0x91: {  	s18 =	sld [smem:$0x3FFB];
	_ =	sdelay $0x3  }
0x92: {  	_ =	strace s18  }
0x93: {  	s2 =	sld [smem:$0x3FFC];
	_ =	sdelay $0x3  }
0x94: {  	_ =	strace s2  }
0x95: {  	s2 =	sld [smem:$0x3FFD];
	_ =	sdelay $0x3  }
0x96: {  	_ =	strace s2  }
0x97: {  	_ =	strace $0x8FFFFFFF  }
0x98: {  	s19 =	sld [smem:$0x3FDB];
	_ =	sdelay $0x1  }
0x99: {  	s20 =	simm.s32 $_scs_section_size  }
0x9a: {  	s4 =	simm.s32 $_size__tile_overlayer_lowered;
	s5 =	simm.s32 $_tile_overlayer_lowered  }
0x9b: {  	s6 =	simm.s32 $0x1BFF;
	s21 =	sshll.u32 s5, $0x1;
	s3 =	sadd.s32 s20, s19  }
0x9c: {  	s22 =	simm.s32 $0x0;
	s4 =	sshll.u32 s4, $0x1;
	s5 =	sadd.s32 s21, s3  }
0x9d: {  	[timem:s22], [sflag:s6] =	dma.local [hbm:s5], s4  }
0x9e: {  	_ =	swait.ge [sflag:s6], s4  }
0x9f: {  	s4 =	ssub.s32 $0x0, s4;
	[sflag:s6] =	ssyncset.done $0x0  }
0xa0: {  	[sflag:s6] =	ssyncadd.s32 s4;
	_ =	sdelay $0x1  }
0xa1: {  	s23 =	simm.s32 $0x1B8B  }
0xa2: {  	_ =	swait.ge [sflag:s23], $0x1  }
0xa3: {  	[sflag:s23] =	ssyncset.done $0x0  }
0xa4: {  	[sflag:s23] =	ssyncadd.s32 $0xFFFFFFFF  }
0xa5: {  	s4 =	sld [smem:$0x0]  }
0xa6: {  	s5 =	sand.u32 $0xFFFFFFFE, s1  }
0xa7: {  	p0 =	sne.s32 s1, s5  }
0xa8: {  	s5 =	sshll.u32 @p0 s5, $0xE  }
0xa9: {  	s5 =	sadd.s32 @p0 $0x11B8D, s5;
	s6 =	sshll.u32 @p0 s4, $0x11  }
0xaa: {  	s5 =	sor.u32 @p0 s6, s5  }
0xab: {  	[sflag:s5] =	ssyncadd.remote.s32 @p0 $0x1;
	_ =	sdelay $0x1  }
0xac: {  	s5 =	simm.s32 @p0 $0x1B8D  }
0xad: {  	_ =	swait.eq @p0 [sflag:s5], $0x1  }
0xae: {  	[sflag:s5] =	ssyncadd.s32 @p0 $0xFFFFFFFF  }
0xaf: {  	s6 =	sshll.u32 @!p0 s1, $0xE  }
0xb0: {  	s6 =	sor.u32 @!p0 $0x4000, s6;
	s5 =	simm.s32 @!p0 $0x1B8D  }
0xb1: {  	s4 =	sshll.u32 @!p0 s4, $0x11;
	s6 =	sadd.s32 @!p0 $0x11B8D, s6;
	_ =	swait.eq @!p0 [sflag:s5], $0x1  }
0xb2: {  	s4 =	sor.u32 @!p0 s4, s6;
	[sflag:s5] =	ssyncadd.s32 @!p0 $0xFFFFFFFF  }
0xb3: {  	s25 =	simm.s32 $0x1B8E;
	s24 =	sld [smem:$0x3FFE];
	[sflag:s4] =	ssyncadd.remote.s32 @!p0 $0x1  }
0xb4: {  	s26 =	simm.s32 $execute0_lowered;
	[smem:$0x3FD2] =	sst s25  }
0xb5: {  	s5 =	sshll.u32 s26, $0x1;
	_ =	strace $0x80000049;
	[dreg:$0x1] =	wrdreg $0xFFFFFFFF  }
0xb6: {  	s28 =	simm.s32 $_size_execute0_lowered;
	s3 =	sadd.s32 s3, s5;
	[dreg:$0x0] =	wrdreg $0x0  }
0xb7: {  	s5 =	sshll.u32 s28, $0x1;
	[dreg:$0x2] =	wrdreg s3  }
0xb8: {  	[dreg:$0x3] =	wrdreg s5  }
0xb9: {  	[dreg:$0x4] =	wrdreg $0xC0  }
0xba: {  	_ =	task [dreg:s22], $0x5FFFF  }
0xbb: {  	[dreg:$0x1] =	wrdreg $0xFFFFFFFF  }
0xbc: {  	[dreg:$0x0] =	wrdreg $0x60  }
0xbd: {  	[dreg:$0x2] =	wrdreg s24  }
0xbe: {  	[dreg:$0x3] =	wrdreg $0x9  }
0xbf: {  	_ =	task.clear_ibuf [dreg:s22], $0x4FFFF;
	_ =	strace $0x90000049  }
0xc0: {  	s29 =	simm.s32 $0x9;
	_ =	strace $0x8000004B  }
0xc1: {  	_ =	swait.ge [sflag:s29], $0x1  }
0xc2: {  	[sflag:s29] =	ssyncadd.s32 $0xFFFFFFFF  }
0xc3: {  	_ =	strace $0x9000004B  }
0xc4: {  	_ =	sfence  }
0xc5: {  	s30 =	sld [smem:$0x0];
	_ =	sdelay $0x2  }
0xc6: {  	s31 =	sshll.u32 s1, $0xD;
	s1 =	sshrl.u32 s1, $0x2  }
0xc7: {  	s4 =	sand.u32 $0x4000, s31;
	s1 =	sadd.s32 s1, s30  }
0xc8: {  	s0 =	sor.u32 s4, s0;
	s1 =	sshll.u32 s1, $0x11  }
0xc9: {  	s0 =	sor.u32 s1, s0  }
0xca: {  	s0 =	sadd.s32 $0x8F2B, s0  }
0xcb: {  	[sflag:s0] =	ssyncadd.remote.s32 $0x1  }
0xcc: {  	_ =	sfence.sel $0xFFFF  }
0xcd: {  	[dreg:$0x0] =	wrdreg $0xFFFFFFFF;
	(pc) =	sbr.abs _section_cstart, $3  }
0xce: {  	[dreg:$0x1] =	wrdreg $0xFFFFFFFF  }
0xcf: {  	_ =	task.clear_ibuf [dreg:s22], $0x2FFFF;
	_ =	strace $0x9FFFFFFF  }
0xd0: {  	(tm) =	ssettm $0x7FFFFFFF  }
0xd1: {  	_ =	shalt  }
tec
execute0_lowered:
.L_overlay_start_1:
0x0: {  	(tag) =	ssettag $0x1  }
0x1: {  	s7 =	rddreg [dreg:$0x0]  }
0x2: {  	s1 =	srdreg.scid;
	s0 =	rddreg [dreg:$0x1]  }
0x3: {  	_ =	strace $0x8000004A;
	s3 =	simm.s32 $0x1;
	s5 =	simm.s32 $0x2  }
0x4: {  	s9 =	simm.s32 $0x3;
	s11 =	simm.s32 $0x0;
	s2 =	sshll.u32 s1, $0x4  }
.Ltmp0:
0x5: {  	s1 =	stileid.u32;
	s4 =	sand.u32 $0x10, s2;
	(pc) =	sbr.rel .LBB2_1-.Ltmp0, $4  }
0x6: {  	p0 =	por $0x0, $0x0;
	[sflag:s3] =	ssyncpa.u1 $0x0;
	s4 =	sor.u32 s1, s4  }
0x7: {  	s6 =	sadd.s32 $0x19000, s7;
	[sflag:s5] =	ssyncpa.u1 $0x0;
	s4 =	smul.u32 $0xD00, s4  }
0x8: {  	s2 =	sadd.s32 $0xE7C00, s7;
	s7 =	sadd.s32 $0x281400, s7;
	[sflag:s9] =	ssyncpa.u1 $0x0  }
0x9: {  	vm0 =	vmmov $0xff;
	vm1 =	vcmask $0x3F20;
	s9 =	simm.s32 $0x0;
	s8 =	sadd.s32 $0xD00, s4;
	s10 =	smov.u32 s4  }
.LBB2_6:
0xa: {  	[hbm:s15] =	stream.linear.scatter [tilespmem:s12], [sflag:$0x3], $0x400, $0x38;
	[tilespmem:$0x1A340] =	vst v63  }
.LBB2_7:
0xb: {  	p1 =	slt.u32 s9, $0x2;
	s11 =	sadd.s32 $0x1A0, s10  }
0xc: {  	s13 =	smov.u32 s4;
	s9 =	sadd.s32 $0x1, s9;
	p2 =	slt.s32 s11, s8  }
0xd: {  	s13 =	smov.u32 @p2 s11;
	p2 =	sne.s32 s9, $0xA  }
.Ltmp1:
0xe: {  	_ = 	snop;
	(pc) =	sbr.rel @!p2 .LBB2_8-.Ltmp1, $4  }
0xf: {  	s12 =	simm.s32 @!p1 $0x3  }
0x10: {  	_ =	swait.ge @!p1 [sflag:s12], $0xD000  }
0x11: {  	p0 =	por !p0, !p0;
	[sflag:s12] =	ssyncset.done @!p1 $0x0  }
0x12: {  	s11 =	smov.u32 s10;
	s10 =	smov.u32 s13;
	[sflag:s12] =	ssyncadd.s32 @!p1 $0xFFFF3000  }
.LBB2_1:
0x13: {  	p1 =	sgt.u32 s9, $0x7  }
0x14: {  	s12 =	sxor.u32 @!p1 $0xFFFFFFFF, s9  }
0x15: {  	s12 =	sand.u32 @!p1 $0x1, s12  }
0x16: {  	s12 =	smul.u32 @!p1 $0x680, s12  }
0x17: {  	s31 =	sadd.s32 $0xFFFFFFFF, s9;
	s13 =	sshrl.u32 @!p1 s10, $0x3  }
0x18: {  	s14 =	sand.u32 @!p1 $0x7, s10;
	s13 =	sadd.s32 @!p1 s6, s13;
	s12 =	sshrl.u32 @!p1 s12, $0x2  }
0x19: {  	[tilespmem:s12], [sflag:$0x2] =	stream.linear.gather @!p1 [hbm4b:s13+s14], $0x1A0, $0x38;
	[tilespmem:$0x1A340] =	vst v63  }
0x1a: {  	p1 =	sgt.u32 s31, $0x7  }
.Ltmp2:
0x1b: {  	_ = 	snop;
	(pc) =	sbr.rel @p1 .LBB2_7-.Ltmp2, $1  }
0x1c: {  	_ =	sdelay $0x3  }
0x1d: {  	s12 =	simm.s32 $0x1  }
0x1e: {  	s12 =	simm.s32 @!p0 $0x0  }
0x1f: {  	s13 =	smul.u32 $0x680, s12  }
0x20: {  	_ =	swait.ge [sflag:s5], $0x1A0  }
0x21: {  	[sflag:s5] =	ssyncset.done $0x0;
	s14 =	sshrl.u32 s13, $0x2  }
0x22: {  	[sflag:s5] =	ssyncadd.s32 $0xFFFFFE60;
	s13 =	sadd.s32 $0x0, s14  }
0x23: {  	v0 =	vld.msk [tilespmem:s13+$0x0 ss:$0x1], $0xffff;
	_ =	sdelay $0x4  }
0x24: {  	vm2 =	vgt.s32 v0, $0x0  }
0x25: {  	v0 =	vnsel vm2, $0x0, v0  }
0x26: {  	v0 =	vmin.u32 v0, $0x1963F  }
0x27: {  	v0 =	vshll.u32 v0, $0x4  }
0x28: {  	s12 =	smul.u32 $0x34000, s12;
	_ =	sdelay $0x1  }
0x29: {  	s12 =	sshrl.u32 s12, $0x2  }
0x2a: {  	s12 =	sor.u32 $0x340, s12  }
0x2b: {  	[tilespmem:s12], [sflag:$0x1] =	stream.indirect_vreg.gather [hbm:s2], $0x80, v0, vm0, $0x38;
	[tilespmem:$0x1A340] =	vst v63  }
0x2c: {  	s15 =	sadd.s32 $0x10, s14;
	s13 =	sadd.s32 $0x400, s12  }
0x2d: {  	[tilespmem:s13], [sflag:$0x1] =	stream.indirect_vreg.gather [hbm:s2], $0x80, v0, vm1, $0x38;
	[tilespmem:$0x1A340] =	vst v63  }
0x2e: {  	s16 =	simm.s32 $0x80;
	v0 =	vld.msk [tilespmem:s15+$0x0 ss:$0x1], $0xffff;
	s15 =	smov.u32 s12  }
.LBB2_3:
0x2f: {  	p1 =	sne.s32 s16, $0x640;
	_ =	sdelay $0x4  }
0x30: {  	vm2 =	vgt.s32 v0, $0x0  }
0x31: {  	v0 =	vnsel vm2, $0x0, v0  }
0x32: {  	v0 =	vmin.u32 v0, $0x1963F  }
0x33: {  	v0 =	vshll.u32 v0, $0x4;
	_ =	sdelay $0x3  }
.Ltmp3:
0x34: {  	s17 =	sshra.s32 s16, $0x2;
	s15 =	sadd.s32 $0x800, s15;
	(pc) =	sbr.rel @p1 .LBB2_3-.Ltmp3, $4  }
0x35: {  	[tilespmem:s15], [sflag:$0x1] =	stream.indirect_vreg.gather [hbm:s2], $0x80, v0, vm0, $0x38;
	[tilespmem:$0x1A340] =	vst v63  }
0x36: {  	s17 =	sadd.s32 s17, s14;
	s18 =	sadd.s32 $0x400, s15  }
0x37: {  	[tilespmem:s18], [sflag:$0x1] =	stream.indirect_vreg.gather [hbm:s2], $0x80, v0, vm1, $0x38;
	[tilespmem:$0x1A340] =	vst v63  }
0x38: {  	s16 =	sadd.s32 $0x40, s16;
	v0 =	vld.msk [tilespmem:s17+$0x0 ss:$0x1], $0xffff  }
0x39: {  	_ =	sdelay $0x3  }
0x3a: {  	vm2 =	vgt.s32 v0, $0x0  }
0x3b: {  	v0 =	vnsel vm2, $0x0, v0  }
0x3c: {  	v0 =	vmin.u32 v0, $0x1963F  }
0x3d: {  	v0 =	vshll.u32 v0, $0x4;
	_ =	sdelay $0x3  }
0x3e: {  	s14 =	sadd.s32 $0x800, s15  }
0x3f: {  	[tilespmem:s14], [sflag:$0x1] =	stream.indirect_vreg.gather [hbm:s2], $0x80, v0, vm0, $0x38;
	[tilespmem:$0x1A340] =	vst v63  }
0x40: {  	s14 =	sadd.s32 $0x400, s14  }
0x41: {  	[tilespmem:s14], [sflag:$0x1] =	stream.indirect_vreg.gather [hbm:s2], $0x80, v0, vm1, $0x38;
	[tilespmem:$0x1A340] =	vst v63  }
0x42: {  	s11 =	sshll.u32 s11, $0x4;
	_ =	swait.ge [sflag:s3], $0xD000  }
0x43: {  	s11 =	sadd.s32 s11, s7;
	[sflag:s3] =	ssyncset.done $0x0  }
0x44: {  	s15 =	sadd.s32 $0x0, s11;
	s14 =	simm.s32 $0x80;
	[sflag:s3] =	ssyncadd.s32 $0xFFFF3000  }
.LBB2_5:
0x45: {  	[hbm:s15] =	stream.linear.scatter [tilespmem:s12], [sflag:$0x3], $0x400, $0x38;
	[tilespmem:$0x1A340] =	vst v63  }
0x46: {  	s15 =	smov.u32 s14;
	s12 =	smov.u32 s13;
	p1 =	sne.s32 s14, $0x1980  }
.Ltmp4:
0x47: {  	s14 =	sadd.s32 $0x80, s14;
	(pc) =	sbr.rel @p1 .LBB2_5-.Ltmp4, $2  }
0x48: {  	_ =	sdelay $0x2  }
0x49: {  	s13 =	sadd.s32 $0x400, s13;
	s15 =	sadd.s32 s15, s11  }
.Ltmp5:
0x4a: {  	_ = 	snop;
	(pc) =	sbr.rel .LBB2_6-.Ltmp5, $1  }
0x4b: {  	_ =	sdelay $0x3  }
.LBB2_8:
0x4c: {  	_ =	sfence.sel $0x180000  }
0x4d: {  	s2 =	simm.s32 $0x2;
	[bflag:$0x0] =	sbarrier.arrive $0xFFFF  }
0x4e: {  	s30 =	simm.s32 $0x3;
	[sflag:s2] =	ssyncpa.u1 $0x1  }
0x4f: {  	s31 =	simm.s32 $0x1;
	[sflag:s30] =	ssyncpa.u1 $0x1  }
0x50: {  	[sflag:s31] =	ssyncpa.u1 $0x1  }
0x51: {  	p0 =	sne.s32 s1, $0x0;
	_ =	strace $0x9000004A  }
0x52: {  	s0 =	sadd.s32 @!p0 $0x100000, s0;
	[bflag:$0x2] =	sbarrier.arrive $0xFFFF  }
0x53: {  	[sflag:s0] =	ssyncadd.tile.s32 @!p0 $0x1;
	_ =	shalt  }
.Lfunc_end2:
_tile_overlayer_lowered:
.L_overlay_start_2:
0x54: {  	(tag) =	ssettag $0x2  }
0x55: {  	s0 =	rddreg [dreg:$0x0];
	s2 =	stileid.u32  }
0x56: {  	s1 =	rddreg [dreg:$0x1];
	p0 =	sne.s32 s2, $0x0  }
0x57: {  	s3 =	rddreg [dreg:$0x2];
	[bflag:$0x3] =	sbarrier.arrive $0xFFFF;
	s2 =	simm.s32 @!p0 $0x1C01  }
0x58: {  	[timem:s3], [sflag:s2] =	dma.local @!p0 [hbm:s0], s1  }
0x59: {  	s0 =	simm.s32 @!p0 $0x1  }
0x5a: {  	_ =	swait.ge @!p0 [sflag:s0], s1  }
0x5b: {  	s1 =	ssub.s32 @!p0 $0x0, s1;
	[sflag:s0] =	ssyncset.done @!p0 $0x0  }
0x5c: {  	[sflag:s0] =	ssyncadd.s32 @!p0 s1  }
0x5d: {  	[bflag:$0x3] =	sbarrier.arrive $0xFFFF  }
0x5e: {  	_ =	shalt  }

// kernel: gather_offload_async_start.2
scs
__scs_entry_jumppad:
0x0: {  	(pc) =	sbr.rel $0x88, $3  }
0x1: {  	(tag) =	ssettag $0x0;
	lr =	simm.s32 $0x1  }
0x2: {  	[smem:$0x3F9B] =	sst lr;
	_ =	strace $0xD0000000  }
0x3: {  	_ = 	snop  }
0x4: {  	_ = 	snop  }
0x5: {  	_ = 	snop  }
0x6: {  	_ = 	snop  }
0x7: {  	_ = 	snop  }
__scs_overlays_trampoline_lowered:
0x8: {  	[smem:$0x3FAA] =	sst s0  }
0x9: {  	[smem:$0x3FAB] =	sst s1  }
0xa: {  	[smem:$0x3FAC] =	sst s2  }
0xb: {  	[smem:$0x3FAD] =	sst s3  }
0xc: {  	[smem:$0x3FAE] =	sst s4  }
0xd: {  	[smem:$0x3FAF] =	sst s5  }
0xe: {  	[smem:$0x3FB0] =	sst s6  }
0xf: {  	[smem:$0x3FB1] =	sst s7  }
0x10: {  	[smem:$0x3FB2] =	sst s8  }
0x11: {  	[smem:$0x3FB3] =	sst s9;
	s0 =	simm.s32 @!p0 $0x0  }
0x12: {  	s1 =	sld [smem:$0x3F99];
	s0 =	simm.s32 @p0 $0x1  }
0x13: {  	[smem:$0x3FB4] =	sst s0;
	s0 =	simm.s32 @!p1 $0x0  }
0x14: {  	s2 =	sld [smem:$0x3F98];
	s0 =	simm.s32 @p1 $0x1  }
0x15: {  	[smem:$0x3FB5] =	sst s0;
	s0 =	simm.s32 @!p2 $0x0  }
0x16: {  	s3 =	sld [smem:$0x3FDB];
	s0 =	simm.s32 @p2 $0x1  }
0x17: {  	s4 =	simm.s32 $0x1BF5;
	[smem:$0x3FB7] =	sst s0  }
0x18: {  	s0 =	sld [smem:$0x3F9A];
	_ =	swait.ge [sflag:s4], $0x0  }
0x19: {  	s7 =	sld [smem:$0x3F9B]  }
0x1a: {  	s8 =	sadd.s32 $0xFFFFE003, lr  }
0x1b: {  	s9 =	sadd.s32 $0xFFFFFEF7, lr;
	s5 =	simm.s32 $0xFFFFFFFF;
	p2 =	slt.u32 s8, $0xFFFFF086  }
0x1c: {  	p1 =	slt.u32 s9, $0xF7A;
	s5 =	simm.s32 @!p2 $0x0  }
0x1d: {  	s5 =	simm.s32 @p1 $0x1;
	p0 =	seq.s32 s7, s2  }
0x1e: {  	s7 =	smul.u32 @!p0 $0xF7A, s2;
	p2 =	seq.s32 @!p0 s5, $0x0  }
0x1f: {  	s9 =	smul.u32 $0xF7A, s1;
	s8 =	simm.s32 @!p0 $0x1BF5;
	p2 =	por !p2, p0  }
0x20: {  	[sflag:s8] =	ssyncset.s32 @!p0 $0xFFFFF086;
	s6 =	sadd.s32 @!p0 s3, s7;
	s7 =	simm.s32 @!p0 $0x108  }
0x21: {  	s3 =	sadd.s32 s3, s9;
	s6 =	sadd.s32 @!p0 $0x88, s6;
	s7 =	simm.s32 @p2 $0x1082  }
0x22: {  	[simem:s7], [sflag:s8] =	dma.local @!p0 [hbm:s6], $0xF7A  }
0x23: {  	s9 =	sor.u32 $0xD0000000, s2;
	s6 =	simm.s32 $0x108;
	_ =	swait.ge @!p0 [sflag:s8], $0x0  }
0x24: {  	s3 =	sadd.s32 $0x88, s3;
	s6 =	simm.s32 @!p1 $0x1082;
	[sflag:s4] =	ssyncset.s32 $0xFFFFF086  }
0x25: {  	[simem:s6], [sflag:s4] =	dma.local [hbm:s3], $0xF7A  }
0x26: {  	[smem:$0x3F9B] =	sst s1;
	(tag) =	ssettag s2;
	_ =	strace s9  }
0x27: {  	s1 =	sld [smem:$0x3FAB]  }
0x28: {  	s2 =	sld [smem:$0x3FAC]  }
0x29: {  	s4 =	sld [smem:$0x3FAE]  }
0x2a: {  	p0 =	seq.s32 s5, $0x0;
	s5 =	sld [smem:$0x3FAF]  }
0x2b: {  	s6 =	sld [smem:$0x3FB0]  }
0x2c: {  	s7 =	sld [smem:$0x3FB1]  }
0x2d: {  	s3 =	simm.s32 $0x108;
	s8 =	sld [smem:$0x3FB2]  }
0x2e: {  	s3 =	simm.s32 @!p0 $0x1082;
	s9 =	sld [smem:$0x3FB3]  }
0x2f: {  	lr =	sadd.s32 s0, s3;
	s0 =	sld [smem:$0x3FAA]  }
0x30: {  	s3 =	sld [smem:$0x3FAD]  }
0x31: {  	[smem:$0x3FB6] =	sst s10  }
0x32: {  	s10 =	sld [smem:$0x3FB4];
	_ =	sdelay $0x3  }
0x33: {  	p0 =	seq.s32 s10, $0x1;
	s10 =	sld [smem:$0x3FB6];
	_ =	sdelay $0x3  }
0x34: {  	[smem:$0x3FB6] =	sst s10  }
0x35: {  	s10 =	sld [smem:$0x3FB5];
	_ =	sdelay $0x3  }
0x36: {  	p1 =	seq.s32 s10, $0x1;
	s10 =	sld [smem:$0x3FB6];
	_ =	sdelay $0x3  }
0x37: {  	[smem:$0x3FB6] =	sst s10  }
0x38: {  	s10 =	sld [smem:$0x3FB7]  }
0x39: {  	_ = 	snop;
	(pc) =	sbr.ind lr, $3  }
0x3a: {  	_ = 	snop  }
0x3b: {  	_ = 	snop  }
0x3c: {  	p2 =	seq.s32 s10, $0x1;
	s10 =	sld [smem:$0x3FB6]  }
0x3d: {  	_ =	shalt  }
0x3e: {  	_ =	shalt  }
0x3f: {  	_ =	shalt  }
0x40: {  	_ =	shalt  }
0x41: {  	_ =	shalt  }
0x42: {  	_ =	shalt  }
0x43: {  	_ =	shalt  }
0x44: {  	_ =	shalt  }
0x45: {  	_ =	shalt  }
0x46: {  	_ =	shalt  }
0x47: {  	_ =	shalt  }
0x48: {  	_ =	shalt  }
0x49: {  	_ =	shalt  }
0x4a: {  	_ =	shalt  }
0x4b: {  	_ =	shalt  }
0x4c: {  	_ =	shalt  }
0x4d: {  	_ =	shalt  }
0x4e: {  	_ =	shalt  }
0x4f: {  	_ =	shalt  }
0x50: {  	_ =	shalt  }
0x51: {  	_ =	shalt  }
0x52: {  	_ =	shalt  }
0x53: {  	_ =	shalt  }
0x54: {  	_ =	shalt  }
0x55: {  	_ =	shalt  }
0x56: {  	_ =	shalt  }
0x57: {  	_ =	shalt  }
0x58: {  	_ =	shalt  }
0x59: {  	_ =	shalt  }
0x5a: {  	_ =	shalt  }
0x5b: {  	_ =	shalt  }
0x5c: {  	_ =	shalt  }
0x5d: {  	_ =	shalt  }
0x5e: {  	_ =	shalt  }
0x5f: {  	_ =	shalt  }
0x60: {  	_ =	shalt  }
0x61: {  	_ =	shalt  }
0x62: {  	_ =	shalt  }
0x63: {  	_ =	shalt  }
0x64: {  	_ =	shalt  }
0x65: {  	_ =	shalt  }
0x66: {  	_ =	shalt  }
0x67: {  	_ =	shalt  }
0x68: {  	_ =	shalt  }
0x69: {  	_ =	shalt  }
0x6a: {  	_ =	shalt  }
0x6b: {  	_ =	shalt  }
0x6c: {  	_ =	shalt  }
0x6d: {  	_ =	shalt  }
0x6e: {  	_ =	shalt  }
0x6f: {  	_ =	shalt  }
0x70: {  	_ =	shalt  }
0x71: {  	_ =	shalt  }
0x72: {  	_ =	shalt  }
0x73: {  	_ =	shalt  }
0x74: {  	_ =	shalt  }
0x75: {  	_ =	shalt  }
0x76: {  	_ =	shalt  }
0x77: {  	_ =	shalt  }
0x78: {  	_ =	shalt  }
0x79: {  	_ =	shalt  }
0x7a: {  	_ =	shalt  }
0x7b: {  	_ =	shalt  }
0x7c: {  	_ =	shalt  }
0x7d: {  	_ =	shalt  }
0x7e: {  	_ =	shalt  }
0x7f: {  	_ =	shalt  }
0x80: {  	_ =	shalt  }
0x81: {  	_ =	shalt  }
0x82: {  	_ =	shalt  }
0x83: {  	_ =	shalt  }
0x84: {  	_ =	shalt  }
0x85: {  	_ =	shalt  }
0x86: {  	_ =	shalt  }
0x87: {  	_ =	shalt  }
.Lfunc_end0:
.L_simem_size_0:
called_computation.2_lowered:
.L_overlay_start_0:
0x88: {  	s2 =	sld [smem:$0x3FD9]  }
0x89: {  	s3 =	sld [smem:$0x3FFE];
	_ =	sdelay $0x1  }
0x8a: {  	s1 =	srdreg.scid  }
0x8b: {  	s0 =	sand.u32 $0x1, s1  }
0x8c: {  	s17 =	sshll.u32 s0, $0xA;
	s2 =	sadd.s32 s3, s2  }
0x8d: {  	s2 =	sadd.s32 s2, s17  }
0x8e: {  	[smem:$0x3FC2] =	sst s2  }
0x8f: {  	_ = 	snop  }
0x90: {  	(tm) =	ssettm $0x1  }
0x91: {  	s18 =	sld [smem:$0x3FFB];
	_ =	sdelay $0x3  }
0x92: {  	_ =	strace s18  }
0x93: {  	s2 =	sld [smem:$0x3FFC];
	_ =	sdelay $0x3  }
0x94: {  	_ =	strace s2  }
0x95: {  	s2 =	sld [smem:$0x3FFD];
	_ =	sdelay $0x3  }
0x96: {  	_ =	strace s2  }
0x97: {  	_ =	strace $0x8FFFFFFF  }
0x98: {  	s19 =	sld [smem:$0x3FDB];
	_ =	sdelay $0x1  }
0x99: {  	s20 =	simm.s32 $_scs_section_size  }
0x9a: {  	s4 =	simm.s32 $_size__tile_overlayer_lowered;
	s5 =	simm.s32 $_tile_overlayer_lowered  }
0x9b: {  	s6 =	simm.s32 $0x1BFF;
	s21 =	sshll.u32 s5, $0x1;
	s3 =	sadd.s32 s20, s19  }
0x9c: {  	s22 =	simm.s32 $0x0;
	s4 =	sshll.u32 s4, $0x1;
	s5 =	sadd.s32 s21, s3  }
0x9d: {  	[timem:s22], [sflag:s6] =	dma.local [hbm:s5], s4  }
0x9e: {  	_ =	swait.ge [sflag:s6], s4  }
0x9f: {  	s4 =	ssub.s32 $0x0, s4;
	[sflag:s6] =	ssyncset.done $0x0  }
0xa0: {  	[sflag:s6] =	ssyncadd.s32 s4;
	_ =	sdelay $0x1  }
0xa1: {  	s23 =	simm.s32 $0x1B8B  }
0xa2: {  	_ =	swait.ge [sflag:s23], $0x1  }
0xa3: {  	[sflag:s23] =	ssyncset.done $0x0  }
0xa4: {  	[sflag:s23] =	ssyncadd.s32 $0xFFFFFFFF  }
0xa5: {  	s4 =	sld [smem:$0x0]  }
0xa6: {  	s5 =	sand.u32 $0xFFFFFFFE, s1  }
0xa7: {  	p0 =	sne.s32 s1, s5  }
0xa8: {  	s5 =	sshll.u32 @p0 s5, $0xE  }
0xa9: {  	s5 =	sadd.s32 @p0 $0x11B8D, s5;
	s6 =	sshll.u32 @p0 s4, $0x11  }
0xaa: {  	s5 =	sor.u32 @p0 s6, s5  }
0xab: {  	[sflag:s5] =	ssyncadd.remote.s32 @p0 $0x1;
	_ =	sdelay $0x1  }
0xac: {  	s5 =	simm.s32 @p0 $0x1B8D  }
0xad: {  	_ =	swait.eq @p0 [sflag:s5], $0x1  }
0xae: {  	[sflag:s5] =	ssyncadd.s32 @p0 $0xFFFFFFFF  }
0xaf: {  	s6 =	sshll.u32 @!p0 s1, $0xE  }
0xb0: {  	s6 =	sor.u32 @!p0 $0x4000, s6;
	s5 =	simm.s32 @!p0 $0x1B8D  }
0xb1: {  	s4 =	sshll.u32 @!p0 s4, $0x11;
	s6 =	sadd.s32 @!p0 $0x11B8D, s6;
	_ =	swait.eq @!p0 [sflag:s5], $0x1  }
0xb2: {  	s4 =	sor.u32 @!p0 s4, s6;
	[sflag:s5] =	ssyncadd.s32 @!p0 $0xFFFFFFFF  }
0xb3: {  	s25 =	simm.s32 $0x1B8E;
	s24 =	sld [smem:$0x3FFE];
	[sflag:s4] =	ssyncadd.remote.s32 @!p0 $0x1  }
0xb4: {  	s26 =	simm.s32 $execute0_lowered;
	[smem:$0x3FD2] =	sst s25  }
0xb5: {  	s5 =	sshll.u32 s26, $0x1;
	_ =	strace $0x8000004C;
	[dreg:$0x1] =	wrdreg $0xFFFFFFFF  }
0xb6: {  	s28 =	simm.s32 $_size_execute0_lowered;
	s3 =	sadd.s32 s3, s5;
	[dreg:$0x0] =	wrdreg $0x0  }
0xb7: {  	s5 =	sshll.u32 s28, $0x1;
	[dreg:$0x2] =	wrdreg s3  }
0xb8: {  	[dreg:$0x3] =	wrdreg s5  }
0xb9: {  	[dreg:$0x4] =	wrdreg $0xC0  }
0xba: {  	_ =	task [dreg:s22], $0x5FFFF  }
0xbb: {  	[dreg:$0x1] =	wrdreg $0xFFFFFFFF  }
0xbc: {  	[dreg:$0x0] =	wrdreg $0x60  }
0xbd: {  	[dreg:$0x2] =	wrdreg s24  }
0xbe: {  	[dreg:$0x3] =	wrdreg $0xA  }
0xbf: {  	_ =	task.clear_ibuf [dreg:s22], $0x4FFFF;
	_ =	strace $0x9000004C  }
0xc0: {  	s29 =	simm.s32 $0xA;
	_ =	strace $0x8000004E  }
0xc1: {  	_ =	swait.ge [sflag:s29], $0x1  }
0xc2: {  	[sflag:s29] =	ssyncadd.s32 $0xFFFFFFFF  }
0xc3: {  	_ =	strace $0x9000004E  }
0xc4: {  	_ =	sfence  }
0xc5: {  	s30 =	sld [smem:$0x0];
	_ =	sdelay $0x2  }
0xc6: {  	s31 =	sshll.u32 s1, $0xD;
	s1 =	sshrl.u32 s1, $0x2  }
0xc7: {  	s4 =	sand.u32 $0x4000, s31;
	s1 =	sadd.s32 s1, s30  }
0xc8: {  	s0 =	sor.u32 s4, s0;
	s1 =	sshll.u32 s1, $0x11  }
0xc9: {  	s0 =	sor.u32 s1, s0  }
0xca: {  	s0 =	sadd.s32 $0x8F2B, s0  }
0xcb: {  	[sflag:s0] =	ssyncadd.remote.s32 $0x1  }
0xcc: {  	_ =	sfence.sel $0xFFFF  }
0xcd: {  	[dreg:$0x0] =	wrdreg $0xFFFFFFFF;
	(pc) =	sbr.abs _section_cstart, $3  }
0xce: {  	[dreg:$0x1] =	wrdreg $0xFFFFFFFF  }
0xcf: {  	_ =	task.clear_ibuf [dreg:s22], $0x2FFFF;
	_ =	strace $0x9FFFFFFF  }
0xd0: {  	(tm) =	ssettm $0x7FFFFFFF  }
0xd1: {  	_ =	shalt  }
tec
execute0_lowered:
.L_overlay_start_1:
0x0: {  	(tag) =	ssettag $0x1  }
0x1: {  	s7 =	rddreg [dreg:$0x0]  }
0x2: {  	s1 =	srdreg.scid;
	s0 =	rddreg [dreg:$0x1]  }
0x3: {  	_ =	strace $0x8000004D;
	s3 =	simm.s32 $0x1;
	s5 =	simm.s32 $0x2  }
0x4: {  	s9 =	simm.s32 $0x3;
	s11 =	simm.s32 $0x0;
	s2 =	sshll.u32 s1, $0x4  }
.Ltmp0:
0x5: {  	s1 =	stileid.u32;
	s4 =	sand.u32 $0x10, s2;
	(pc) =	sbr.rel .LBB2_1-.Ltmp0, $4  }
0x6: {  	p0 =	por $0x0, $0x0;
	[sflag:s3] =	ssyncpa.u1 $0x0;
	s4 =	sor.u32 s1, s4  }
0x7: {  	s6 =	sadd.s32 $0x19000, s7;
	[sflag:s5] =	ssyncpa.u1 $0x0;
	s4 =	smul.u32 $0xD00, s4  }
0x8: {  	s2 =	sadd.s32 $0x421400, s7;
	s7 =	sadd.s32 $0x5B7800, s7;
	[sflag:s9] =	ssyncpa.u1 $0x0  }
0x9: {  	vm0 =	vmmov $0xff;
	vm1 =	vcmask $0x3F20;
	s9 =	simm.s32 $0x0;
	s8 =	sadd.s32 $0xD00, s4;
	s10 =	smov.u32 s4  }
.LBB2_6:
0xa: {  	[hbm:s15] =	stream.linear.scatter [tilespmem:s12], [sflag:$0x3], $0x400, $0x38;
	[tilespmem:$0x1A340] =	vst v63  }
.LBB2_7:
0xb: {  	p1 =	slt.u32 s9, $0x2;
	s11 =	sadd.s32 $0x1A0, s10  }
0xc: {  	s13 =	smov.u32 s4;
	s9 =	sadd.s32 $0x1, s9;
	p2 =	slt.s32 s11, s8  }
0xd: {  	s13 =	smov.u32 @p2 s11;
	p2 =	sne.s32 s9, $0xA  }
.Ltmp1:
0xe: {  	_ = 	snop;
	(pc) =	sbr.rel @!p2 .LBB2_8-.Ltmp1, $4  }
0xf: {  	s12 =	simm.s32 @!p1 $0x3  }
0x10: {  	_ =	swait.ge @!p1 [sflag:s12], $0xD000  }
0x11: {  	p0 =	por !p0, !p0;
	[sflag:s12] =	ssyncset.done @!p1 $0x0  }
0x12: {  	s11 =	smov.u32 s10;
	s10 =	smov.u32 s13;
	[sflag:s12] =	ssyncadd.s32 @!p1 $0xFFFF3000  }
.LBB2_1:
0x13: {  	p1 =	sgt.u32 s9, $0x7  }
0x14: {  	s12 =	sxor.u32 @!p1 $0xFFFFFFFF, s9  }
0x15: {  	s12 =	sand.u32 @!p1 $0x1, s12  }
0x16: {  	s12 =	smul.u32 @!p1 $0x680, s12  }
0x17: {  	s31 =	sadd.s32 $0xFFFFFFFF, s9;
	s13 =	sshrl.u32 @!p1 s10, $0x3  }
0x18: {  	s14 =	sand.u32 @!p1 $0x7, s10;
	s13 =	sadd.s32 @!p1 s6, s13;
	s12 =	sshrl.u32 @!p1 s12, $0x2  }
0x19: {  	[tilespmem:s12], [sflag:$0x2] =	stream.linear.gather @!p1 [hbm4b:s13+s14], $0x1A0, $0x38;
	[tilespmem:$0x1A340] =	vst v63  }
0x1a: {  	p1 =	sgt.u32 s31, $0x7  }
.Ltmp2:
0x1b: {  	_ = 	snop;
	(pc) =	sbr.rel @p1 .LBB2_7-.Ltmp2, $1  }
0x1c: {  	_ =	sdelay $0x3  }
0x1d: {  	s12 =	simm.s32 $0x1  }
0x1e: {  	s12 =	simm.s32 @!p0 $0x0  }
0x1f: {  	s13 =	smul.u32 $0x680, s12  }
0x20: {  	_ =	swait.ge [sflag:s5], $0x1A0  }
0x21: {  	[sflag:s5] =	ssyncset.done $0x0;
	s14 =	sshrl.u32 s13, $0x2  }
0x22: {  	[sflag:s5] =	ssyncadd.s32 $0xFFFFFE60;
	s13 =	sadd.s32 $0x0, s14  }
0x23: {  	v0 =	vld.msk [tilespmem:s13+$0x0 ss:$0x1], $0xffff;
	_ =	sdelay $0x4  }
0x24: {  	vm2 =	vgt.s32 v0, $0x0  }
0x25: {  	v0 =	vnsel vm2, $0x0, v0  }
0x26: {  	v0 =	vmin.u32 v0, $0x1963F  }
0x27: {  	v0 =	vshll.u32 v0, $0x4  }
0x28: {  	s12 =	smul.u32 $0x34000, s12;
	_ =	sdelay $0x1  }
0x29: {  	s12 =	sshrl.u32 s12, $0x2  }
0x2a: {  	s12 =	sor.u32 $0x340, s12  }
0x2b: {  	[tilespmem:s12], [sflag:$0x1] =	stream.indirect_vreg.gather [hbm:s2], $0x80, v0, vm0, $0x38;
	[tilespmem:$0x1A340] =	vst v63  }
0x2c: {  	s15 =	sadd.s32 $0x10, s14;
	s13 =	sadd.s32 $0x400, s12  }
0x2d: {  	[tilespmem:s13], [sflag:$0x1] =	stream.indirect_vreg.gather [hbm:s2], $0x80, v0, vm1, $0x38;
	[tilespmem:$0x1A340] =	vst v63  }
0x2e: {  	s16 =	simm.s32 $0x80;
	v0 =	vld.msk [tilespmem:s15+$0x0 ss:$0x1], $0xffff;
	s15 =	smov.u32 s12  }
.LBB2_3:
0x2f: {  	p1 =	sne.s32 s16, $0x640;
	_ =	sdelay $0x4  }
0x30: {  	vm2 =	vgt.s32 v0, $0x0  }
0x31: {  	v0 =	vnsel vm2, $0x0, v0  }
0x32: {  	v0 =	vmin.u32 v0, $0x1963F  }
0x33: {  	v0 =	vshll.u32 v0, $0x4;
	_ =	sdelay $0x3  }
.Ltmp3:
0x34: {  	s17 =	sshra.s32 s16, $0x2;
	s15 =	sadd.s32 $0x800, s15;
	(pc) =	sbr.rel @p1 .LBB2_3-.Ltmp3, $4  }
0x35: {  	[tilespmem:s15], [sflag:$0x1] =	stream.indirect_vreg.gather [hbm:s2], $0x80, v0, vm0, $0x38;
	[tilespmem:$0x1A340] =	vst v63  }
0x36: {  	s17 =	sadd.s32 s17, s14;
	s18 =	sadd.s32 $0x400, s15  }
0x37: {  	[tilespmem:s18], [sflag:$0x1] =	stream.indirect_vreg.gather [hbm:s2], $0x80, v0, vm1, $0x38;
	[tilespmem:$0x1A340] =	vst v63  }
0x38: {  	s16 =	sadd.s32 $0x40, s16;
	v0 =	vld.msk [tilespmem:s17+$0x0 ss:$0x1], $0xffff  }
0x39: {  	_ =	sdelay $0x3  }
0x3a: {  	vm2 =	vgt.s32 v0, $0x0  }
0x3b: {  	v0 =	vnsel vm2, $0x0, v0  }
0x3c: {  	v0 =	vmin.u32 v0, $0x1963F  }
0x3d: {  	v0 =	vshll.u32 v0, $0x4;
	_ =	sdelay $0x3  }
0x3e: {  	s14 =	sadd.s32 $0x800, s15  }
0x3f: {  	[tilespmem:s14], [sflag:$0x1] =	stream.indirect_vreg.gather [hbm:s2], $0x80, v0, vm0, $0x38;
	[tilespmem:$0x1A340] =	vst v63  }
0x40: {  	s14 =	sadd.s32 $0x400, s14  }
0x41: {  	[tilespmem:s14], [sflag:$0x1] =	stream.indirect_vreg.gather [hbm:s2], $0x80, v0, vm1, $0x38;
	[tilespmem:$0x1A340] =	vst v63  }
0x42: {  	s11 =	sshll.u32 s11, $0x4;
	_ =	swait.ge [sflag:s3], $0xD000  }
0x43: {  	s11 =	sadd.s32 s11, s7;
	[sflag:s3] =	ssyncset.done $0x0  }
0x44: {  	s15 =	sadd.s32 $0x0, s11;
	s14 =	simm.s32 $0x80;
	[sflag:s3] =	ssyncadd.s32 $0xFFFF3000  }
.LBB2_5:
0x45: {  	[hbm:s15] =	stream.linear.scatter [tilespmem:s12], [sflag:$0x3], $0x400, $0x38;
	[tilespmem:$0x1A340] =	vst v63  }
0x46: {  	s15 =	smov.u32 s14;
	s12 =	smov.u32 s13;
	p1 =	sne.s32 s14, $0x1980  }
.Ltmp4:
0x47: {  	s14 =	sadd.s32 $0x80, s14;
	(pc) =	sbr.rel @p1 .LBB2_5-.Ltmp4, $2  }
0x48: {  	_ =	sdelay $0x2  }
0x49: {  	s13 =	sadd.s32 $0x400, s13;
	s15 =	sadd.s32 s15, s11  }
.Ltmp5:
0x4a: {  	_ = 	snop;
	(pc) =	sbr.rel .LBB2_6-.Ltmp5, $1  }
0x4b: {  	_ =	sdelay $0x3  }
.LBB2_8:
0x4c: {  	_ =	sfence.sel $0x180000  }
0x4d: {  	s2 =	simm.s32 $0x2;
	[bflag:$0x0] =	sbarrier.arrive $0xFFFF  }
0x4e: {  	s30 =	simm.s32 $0x3;
	[sflag:s2] =	ssyncpa.u1 $0x1  }
0x4f: {  	s31 =	simm.s32 $0x1;
	[sflag:s30] =	ssyncpa.u1 $0x1  }
0x50: {  	[sflag:s31] =	ssyncpa.u1 $0x1  }
0x51: {  	p0 =	sne.s32 s1, $0x0;
	_ =	strace $0x9000004D  }
0x52: {  	s0 =	sadd.s32 @!p0 $0x100000, s0;
	[bflag:$0x2] =	sbarrier.arrive $0xFFFF  }
0x53: {  	[sflag:s0] =	ssyncadd.tile.s32 @!p0 $0x1;
	_ =	shalt  }
.Lfunc_end2:
_tile_overlayer_lowered:
.L_overlay_start_2:
0x54: {  	(tag) =	ssettag $0x2  }
0x55: {  	s0 =	rddreg [dreg:$0x0];
	s2 =	stileid.u32  }
0x56: {  	s1 =	rddreg [dreg:$0x1];
	p0 =	sne.s32 s2, $0x0  }
0x57: {  	s3 =	rddreg [dreg:$0x2];
	[bflag:$0x3] =	sbarrier.arrive $0xFFFF;
	s2 =	simm.s32 @!p0 $0x1C01  }
0x58: {  	[timem:s3], [sflag:s2] =	dma.local @!p0 [hbm:s0], s1  }
0x59: {  	s0 =	simm.s32 @!p0 $0x1  }
0x5a: {  	_ =	swait.ge @!p0 [sflag:s0], s1  }
0x5b: {  	s1 =	ssub.s32 @!p0 $0x0, s1;
	[sflag:s0] =	ssyncset.done @!p0 $0x0  }
0x5c: {  	[sflag:s0] =	ssyncadd.s32 @!p0 s1  }
0x5d: {  	[bflag:$0x3] =	sbarrier.arrive $0xFFFF  }
0x5e: {  	_ =	shalt  }

// kernel: gather_offload_async_start.3
scs
__scs_entry_jumppad:
0x0: {  	(pc) =	sbr.rel $0x88, $3  }
0x1: {  	(tag) =	ssettag $0x0;
	lr =	simm.s32 $0x1  }
0x2: {  	[smem:$0x3F9B] =	sst lr;
	_ =	strace $0xD0000000  }
0x3: {  	_ = 	snop  }
0x4: {  	_ = 	snop  }
0x5: {  	_ = 	snop  }
0x6: {  	_ = 	snop  }
0x7: {  	_ = 	snop  }
__scs_overlays_trampoline_lowered:
0x8: {  	[smem:$0x3FAA] =	sst s0  }
0x9: {  	[smem:$0x3FAB] =	sst s1  }
0xa: {  	[smem:$0x3FAC] =	sst s2  }
0xb: {  	[smem:$0x3FAD] =	sst s3  }
0xc: {  	[smem:$0x3FAE] =	sst s4  }
0xd: {  	[smem:$0x3FAF] =	sst s5  }
0xe: {  	[smem:$0x3FB0] =	sst s6  }
0xf: {  	[smem:$0x3FB1] =	sst s7  }
0x10: {  	[smem:$0x3FB2] =	sst s8  }
0x11: {  	[smem:$0x3FB3] =	sst s9;
	s0 =	simm.s32 @!p0 $0x0  }
0x12: {  	s1 =	sld [smem:$0x3F99];
	s0 =	simm.s32 @p0 $0x1  }
0x13: {  	[smem:$0x3FB4] =	sst s0;
	s0 =	simm.s32 @!p1 $0x0  }
0x14: {  	s2 =	sld [smem:$0x3F98];
	s0 =	simm.s32 @p1 $0x1  }
0x15: {  	[smem:$0x3FB5] =	sst s0;
	s0 =	simm.s32 @!p2 $0x0  }
0x16: {  	s3 =	sld [smem:$0x3FDB];
	s0 =	simm.s32 @p2 $0x1  }
0x17: {  	s4 =	simm.s32 $0x1BF5;
	[smem:$0x3FB7] =	sst s0  }
0x18: {  	s0 =	sld [smem:$0x3F9A];
	_ =	swait.ge [sflag:s4], $0x0  }
0x19: {  	s7 =	sld [smem:$0x3F9B]  }
0x1a: {  	s8 =	sadd.s32 $0xFFFFE003, lr  }
0x1b: {  	s9 =	sadd.s32 $0xFFFFFEF7, lr;
	s5 =	simm.s32 $0xFFFFFFFF;
	p2 =	slt.u32 s8, $0xFFFFF086  }
0x1c: {  	p1 =	slt.u32 s9, $0xF7A;
	s5 =	simm.s32 @!p2 $0x0  }
0x1d: {  	s5 =	simm.s32 @p1 $0x1;
	p0 =	seq.s32 s7, s2  }
0x1e: {  	s7 =	smul.u32 @!p0 $0xF7A, s2;
	p2 =	seq.s32 @!p0 s5, $0x0  }
0x1f: {  	s9 =	smul.u32 $0xF7A, s1;
	s8 =	simm.s32 @!p0 $0x1BF5;
	p2 =	por !p2, p0  }
0x20: {  	[sflag:s8] =	ssyncset.s32 @!p0 $0xFFFFF086;
	s6 =	sadd.s32 @!p0 s3, s7;
	s7 =	simm.s32 @!p0 $0x108  }
0x21: {  	s3 =	sadd.s32 s3, s9;
	s6 =	sadd.s32 @!p0 $0x88, s6;
	s7 =	simm.s32 @p2 $0x1082  }
0x22: {  	[simem:s7], [sflag:s8] =	dma.local @!p0 [hbm:s6], $0xF7A  }
0x23: {  	s9 =	sor.u32 $0xD0000000, s2;
	s6 =	simm.s32 $0x108;
	_ =	swait.ge @!p0 [sflag:s8], $0x0  }
0x24: {  	s3 =	sadd.s32 $0x88, s3;
	s6 =	simm.s32 @!p1 $0x1082;
	[sflag:s4] =	ssyncset.s32 $0xFFFFF086  }
0x25: {  	[simem:s6], [sflag:s4] =	dma.local [hbm:s3], $0xF7A  }
0x26: {  	[smem:$0x3F9B] =	sst s1;
	(tag) =	ssettag s2;
	_ =	strace s9  }
0x27: {  	s1 =	sld [smem:$0x3FAB]  }
0x28: {  	s2 =	sld [smem:$0x3FAC]  }
0x29: {  	s4 =	sld [smem:$0x3FAE]  }
0x2a: {  	p0 =	seq.s32 s5, $0x0;
	s5 =	sld [smem:$0x3FAF]  }
0x2b: {  	s6 =	sld [smem:$0x3FB0]  }
0x2c: {  	s7 =	sld [smem:$0x3FB1]  }
0x2d: {  	s3 =	simm.s32 $0x108;
	s8 =	sld [smem:$0x3FB2]  }
0x2e: {  	s3 =	simm.s32 @!p0 $0x1082;
	s9 =	sld [smem:$0x3FB3]  }
0x2f: {  	lr =	sadd.s32 s0, s3;
	s0 =	sld [smem:$0x3FAA]  }
0x30: {  	s3 =	sld [smem:$0x3FAD]  }
0x31: {  	[smem:$0x3FB6] =	sst s10  }
0x32: {  	s10 =	sld [smem:$0x3FB4];
	_ =	sdelay $0x3  }
0x33: {  	p0 =	seq.s32 s10, $0x1;
	s10 =	sld [smem:$0x3FB6];
	_ =	sdelay $0x3  }
0x34: {  	[smem:$0x3FB6] =	sst s10  }
0x35: {  	s10 =	sld [smem:$0x3FB5];
	_ =	sdelay $0x3  }
0x36: {  	p1 =	seq.s32 s10, $0x1;
	s10 =	sld [smem:$0x3FB6];
	_ =	sdelay $0x3  }
0x37: {  	[smem:$0x3FB6] =	sst s10  }
0x38: {  	s10 =	sld [smem:$0x3FB7]  }
0x39: {  	_ = 	snop;
	(pc) =	sbr.ind lr, $3  }
0x3a: {  	_ = 	snop  }
0x3b: {  	_ = 	snop  }
0x3c: {  	p2 =	seq.s32 s10, $0x1;
	s10 =	sld [smem:$0x3FB6]  }
0x3d: {  	_ =	shalt  }
0x3e: {  	_ =	shalt  }
0x3f: {  	_ =	shalt  }
0x40: {  	_ =	shalt  }
0x41: {  	_ =	shalt  }
0x42: {  	_ =	shalt  }
0x43: {  	_ =	shalt  }
0x44: {  	_ =	shalt  }
0x45: {  	_ =	shalt  }
0x46: {  	_ =	shalt  }
0x47: {  	_ =	shalt  }
0x48: {  	_ =	shalt  }
0x49: {  	_ =	shalt  }
0x4a: {  	_ =	shalt  }
0x4b: {  	_ =	shalt  }
0x4c: {  	_ =	shalt  }
0x4d: {  	_ =	shalt  }
0x4e: {  	_ =	shalt  }
0x4f: {  	_ =	shalt  }
0x50: {  	_ =	shalt  }
0x51: {  	_ =	shalt  }
0x52: {  	_ =	shalt  }
0x53: {  	_ =	shalt  }
0x54: {  	_ =	shalt  }
0x55: {  	_ =	shalt  }
0x56: {  	_ =	shalt  }
0x57: {  	_ =	shalt  }
0x58: {  	_ =	shalt  }
0x59: {  	_ =	shalt  }
0x5a: {  	_ =	shalt  }
0x5b: {  	_ =	shalt  }
0x5c: {  	_ =	shalt  }
0x5d: {  	_ =	shalt  }
0x5e: {  	_ =	shalt  }
0x5f: {  	_ =	shalt  }
0x60: {  	_ =	shalt  }
0x61: {  	_ =	shalt  }
0x62: {  	_ =	shalt  }
0x63: {  	_ =	shalt  }
0x64: {  	_ =	shalt  }
0x65: {  	_ =	shalt  }
0x66: {  	_ =	shalt  }
0x67: {  	_ =	shalt  }
0x68: {  	_ =	shalt  }
0x69: {  	_ =	shalt  }
0x6a: {  	_ =	shalt  }
0x6b: {  	_ =	shalt  }
0x6c: {  	_ =	shalt  }
0x6d: {  	_ =	shalt  }
0x6e: {  	_ =	shalt  }
0x6f: {  	_ =	shalt  }
0x70: {  	_ =	shalt  }
0x71: {  	_ =	shalt  }
0x72: {  	_ =	shalt  }
0x73: {  	_ =	shalt  }
0x74: {  	_ =	shalt  }
0x75: {  	_ =	shalt  }
0x76: {  	_ =	shalt  }
0x77: {  	_ =	shalt  }
0x78: {  	_ =	shalt  }
0x79: {  	_ =	shalt  }
0x7a: {  	_ =	shalt  }
0x7b: {  	_ =	shalt  }
0x7c: {  	_ =	shalt  }
0x7d: {  	_ =	shalt  }
0x7e: {  	_ =	shalt  }
0x7f: {  	_ =	shalt  }
0x80: {  	_ =	shalt  }
0x81: {  	_ =	shalt  }
0x82: {  	_ =	shalt  }
0x83: {  	_ =	shalt  }
0x84: {  	_ =	shalt  }
0x85: {  	_ =	shalt  }
0x86: {  	_ =	shalt  }
0x87: {  	_ =	shalt  }
.Lfunc_end0:
.L_simem_size_0:
called_computation.3_lowered:
.L_overlay_start_0:
0x88: {  	s2 =	sld [smem:$0x3FD9]  }
0x89: {  	s3 =	sld [smem:$0x3FFE];
	_ =	sdelay $0x1  }
0x8a: {  	s1 =	srdreg.scid  }
0x8b: {  	s0 =	sand.u32 $0x1, s1  }
0x8c: {  	s17 =	sshll.u32 s0, $0xA;
	s2 =	sadd.s32 s3, s2  }
0x8d: {  	s2 =	sadd.s32 s2, s17  }
0x8e: {  	[smem:$0x3FC2] =	sst s2  }
0x8f: {  	_ = 	snop  }
0x90: {  	(tm) =	ssettm $0x1  }
0x91: {  	s18 =	sld [smem:$0x3FFB];
	_ =	sdelay $0x3  }
0x92: {  	_ =	strace s18  }
0x93: {  	s2 =	sld [smem:$0x3FFC];
	_ =	sdelay $0x3  }
0x94: {  	_ =	strace s2  }
0x95: {  	s2 =	sld [smem:$0x3FFD];
	_ =	sdelay $0x3  }
0x96: {  	_ =	strace s2  }
0x97: {  	_ =	strace $0x8FFFFFFF  }
0x98: {  	s19 =	sld [smem:$0x3FDB];
	_ =	sdelay $0x1  }
0x99: {  	s20 =	simm.s32 $_scs_section_size  }
0x9a: {  	s4 =	simm.s32 $_size__tile_overlayer_lowered;
	s5 =	simm.s32 $_tile_overlayer_lowered  }
0x9b: {  	s6 =	simm.s32 $0x1BFF;
	s21 =	sshll.u32 s5, $0x1;
	s3 =	sadd.s32 s20, s19  }
0x9c: {  	s22 =	simm.s32 $0x0;
	s4 =	sshll.u32 s4, $0x1;
	s5 =	sadd.s32 s21, s3  }
0x9d: {  	[timem:s22], [sflag:s6] =	dma.local [hbm:s5], s4  }
0x9e: {  	_ =	swait.ge [sflag:s6], s4  }
0x9f: {  	s4 =	ssub.s32 $0x0, s4;
	[sflag:s6] =	ssyncset.done $0x0  }
0xa0: {  	[sflag:s6] =	ssyncadd.s32 s4;
	_ =	sdelay $0x1  }
0xa1: {  	s23 =	simm.s32 $0x1B8B  }
0xa2: {  	_ =	swait.ge [sflag:s23], $0x1  }
0xa3: {  	[sflag:s23] =	ssyncset.done $0x0  }
0xa4: {  	[sflag:s23] =	ssyncadd.s32 $0xFFFFFFFF  }
0xa5: {  	s4 =	sld [smem:$0x0]  }
0xa6: {  	s5 =	sand.u32 $0xFFFFFFFE, s1  }
0xa7: {  	p0 =	sne.s32 s1, s5  }
0xa8: {  	s5 =	sshll.u32 @p0 s5, $0xE  }
0xa9: {  	s5 =	sadd.s32 @p0 $0x11B8D, s5;
	s6 =	sshll.u32 @p0 s4, $0x11  }
0xaa: {  	s5 =	sor.u32 @p0 s6, s5  }
0xab: {  	[sflag:s5] =	ssyncadd.remote.s32 @p0 $0x1;
	_ =	sdelay $0x1  }
0xac: {  	s5 =	simm.s32 @p0 $0x1B8D  }
0xad: {  	_ =	swait.eq @p0 [sflag:s5], $0x1  }
0xae: {  	[sflag:s5] =	ssyncadd.s32 @p0 $0xFFFFFFFF  }
0xaf: {  	s6 =	sshll.u32 @!p0 s1, $0xE  }
0xb0: {  	s6 =	sor.u32 @!p0 $0x4000, s6;
	s5 =	simm.s32 @!p0 $0x1B8D  }
0xb1: {  	s4 =	sshll.u32 @!p0 s4, $0x11;
	s6 =	sadd.s32 @!p0 $0x11B8D, s6;
	_ =	swait.eq @!p0 [sflag:s5], $0x1  }
0xb2: {  	s4 =	sor.u32 @!p0 s4, s6;
	[sflag:s5] =	ssyncadd.s32 @!p0 $0xFFFFFFFF  }
0xb3: {  	s25 =	simm.s32 $0x1B8E;
	s24 =	sld [smem:$0x3FFE];
	[sflag:s4] =	ssyncadd.remote.s32 @!p0 $0x1  }
0xb4: {  	s26 =	simm.s32 $execute0_lowered;
	[smem:$0x3FD2] =	sst s25  }
0xb5: {  	s5 =	sshll.u32 s26, $0x1;
	_ =	strace $0x8000004F;
	[dreg:$0x1] =	wrdreg $0xFFFFFFFF  }
0xb6: {  	s28 =	simm.s32 $_size_execute0_lowered;
	s3 =	sadd.s32 s3, s5;
	[dreg:$0x0] =	wrdreg $0x0  }
0xb7: {  	s5 =	sshll.u32 s28, $0x1;
	[dreg:$0x2] =	wrdreg s3  }
0xb8: {  	[dreg:$0x3] =	wrdreg s5  }
0xb9: {  	[dreg:$0x4] =	wrdreg $0xC0  }
0xba: {  	_ =	task [dreg:s22], $0x5FFFF  }
0xbb: {  	[dreg:$0x1] =	wrdreg $0xFFFFFFFF  }
0xbc: {  	[dreg:$0x0] =	wrdreg $0x60  }
0xbd: {  	[dreg:$0x2] =	wrdreg s24  }
0xbe: {  	[dreg:$0x3] =	wrdreg $0xB  }
0xbf: {  	_ =	task.clear_ibuf [dreg:s22], $0x4FFFF;
	_ =	strace $0x9000004F  }
0xc0: {  	s29 =	simm.s32 $0xB;
	_ =	strace $0x80000051  }
0xc1: {  	_ =	swait.ge [sflag:s29], $0x1  }
0xc2: {  	[sflag:s29] =	ssyncadd.s32 $0xFFFFFFFF  }
0xc3: {  	_ =	strace $0x90000051  }
0xc4: {  	_ =	sfence  }
0xc5: {  	s30 =	sld [smem:$0x0];
	_ =	sdelay $0x2  }
0xc6: {  	s31 =	sshll.u32 s1, $0xD;
	s1 =	sshrl.u32 s1, $0x2  }
0xc7: {  	s4 =	sand.u32 $0x4000, s31;
	s1 =	sadd.s32 s1, s30  }
0xc8: {  	s0 =	sor.u32 s4, s0;
	s1 =	sshll.u32 s1, $0x11  }
0xc9: {  	s0 =	sor.u32 s1, s0  }
0xca: {  	s0 =	sadd.s32 $0x8F2B, s0  }
0xcb: {  	[sflag:s0] =	ssyncadd.remote.s32 $0x1  }
0xcc: {  	_ =	sfence.sel $0xFFFF  }
0xcd: {  	[dreg:$0x0] =	wrdreg $0xFFFFFFFF;
	(pc) =	sbr.abs _section_cstart, $3  }
0xce: {  	[dreg:$0x1] =	wrdreg $0xFFFFFFFF  }
0xcf: {  	_ =	task.clear_ibuf [dreg:s22], $0x2FFFF;
	_ =	strace $0x9FFFFFFF  }
0xd0: {  	(tm) =	ssettm $0x7FFFFFFF  }
0xd1: {  	_ =	shalt  }
tec
execute0_lowered:
.L_overlay_start_1:
0x0: {  	(tag) =	ssettag $0x1  }
0x1: {  	s7 =	rddreg [dreg:$0x0]  }
0x2: {  	s1 =	srdreg.scid;
	s0 =	rddreg [dreg:$0x1]  }
0x3: {  	_ =	strace $0x80000050;
	s3 =	simm.s32 $0x1;
	s5 =	simm.s32 $0x2  }
0x4: {  	s9 =	simm.s32 $0x3;
	s11 =	simm.s32 $0x0;
	s2 =	sshll.u32 s1, $0x4  }
.Ltmp0:
0x5: {  	s1 =	stileid.u32;
	s4 =	sand.u32 $0x10, s2;
	(pc) =	sbr.rel .LBB2_1-.Ltmp0, $4  }
0x6: {  	p0 =	por $0x0, $0x0;
	[sflag:s3] =	ssyncpa.u1 $0x0;
	s4 =	sor.u32 s1, s4  }
0x7: {  	s6 =	sadd.s32 $0x19000, s7;
	[sflag:s5] =	ssyncpa.u1 $0x0;
	s4 =	smul.u32 $0xD00, s4  }
0x8: {  	s2 =	sadd.s32 $0x757800, s7;
	s7 =	sadd.s32 $0x8EDC00, s7;
	[sflag:s9] =	ssyncpa.u1 $0x0  }
0x9: {  	vm0 =	vmmov $0xff;
	vm1 =	vcmask $0x3F20;
	s9 =	simm.s32 $0x0;
	s8 =	sadd.s32 $0xD00, s4;
	s10 =	smov.u32 s4  }
.LBB2_6:
0xa: {  	[hbm:s15] =	stream.linear.scatter [tilespmem:s12], [sflag:$0x3], $0x400, $0x38;
	[tilespmem:$0x1A340] =	vst v63  }
.LBB2_7:
0xb: {  	p1 =	slt.u32 s9, $0x2;
	s11 =	sadd.s32 $0x1A0, s10  }
0xc: {  	s13 =	smov.u32 s4;
	s9 =	sadd.s32 $0x1, s9;
	p2 =	slt.s32 s11, s8  }
0xd: {  	s13 =	smov.u32 @p2 s11;
	p2 =	sne.s32 s9, $0xA  }
.Ltmp1:
0xe: {  	_ = 	snop;
	(pc) =	sbr.rel @!p2 .LBB2_8-.Ltmp1, $4  }
0xf: {  	s12 =	simm.s32 @!p1 $0x3  }
0x10: {  	_ =	swait.ge @!p1 [sflag:s12], $0xD000  }
0x11: {  	p0 =	por !p0, !p0;
	[sflag:s12] =	ssyncset.done @!p1 $0x0  }
0x12: {  	s11 =	smov.u32 s10;
	s10 =	smov.u32 s13;
	[sflag:s12] =	ssyncadd.s32 @!p1 $0xFFFF3000  }
.LBB2_1:
0x13: {  	p1 =	sgt.u32 s9, $0x7  }
0x14: {  	s12 =	sxor.u32 @!p1 $0xFFFFFFFF, s9  }
0x15: {  	s12 =	sand.u32 @!p1 $0x1, s12  }
0x16: {  	s12 =	smul.u32 @!p1 $0x680, s12  }
0x17: {  	s31 =	sadd.s32 $0xFFFFFFFF, s9;
	s13 =	sshrl.u32 @!p1 s10, $0x3  }
0x18: {  	s14 =	sand.u32 @!p1 $0x7, s10;
	s13 =	sadd.s32 @!p1 s6, s13;
	s12 =	sshrl.u32 @!p1 s12, $0x2  }
0x19: {  	[tilespmem:s12], [sflag:$0x2] =	stream.linear.gather @!p1 [hbm4b:s13+s14], $0x1A0, $0x38;
	[tilespmem:$0x1A340] =	vst v63  }
0x1a: {  	p1 =	sgt.u32 s31, $0x7  }
.Ltmp2:
0x1b: {  	_ = 	snop;
	(pc) =	sbr.rel @p1 .LBB2_7-.Ltmp2, $1  }
0x1c: {  	_ =	sdelay $0x3  }
0x1d: {  	s12 =	simm.s32 $0x1  }
0x1e: {  	s12 =	simm.s32 @!p0 $0x0  }
0x1f: {  	s13 =	smul.u32 $0x680, s12  }
0x20: {  	_ =	swait.ge [sflag:s5], $0x1A0  }
0x21: {  	[sflag:s5] =	ssyncset.done $0x0;
	s14 =	sshrl.u32 s13, $0x2  }
0x22: {  	[sflag:s5] =	ssyncadd.s32 $0xFFFFFE60;
	s13 =	sadd.s32 $0x0, s14  }
0x23: {  	v0 =	vld.msk [tilespmem:s13+$0x0 ss:$0x1], $0xffff;
	_ =	sdelay $0x4  }
0x24: {  	vm2 =	vgt.s32 v0, $0x0  }
0x25: {  	v0 =	vnsel vm2, $0x0, v0  }
0x26: {  	v0 =	vmin.u32 v0, $0x1963F  }
0x27: {  	v0 =	vshll.u32 v0, $0x4  }
0x28: {  	s12 =	smul.u32 $0x34000, s12;
	_ =	sdelay $0x1  }
0x29: {  	s12 =	sshrl.u32 s12, $0x2  }
0x2a: {  	s12 =	sor.u32 $0x340, s12  }
0x2b: {  	[tilespmem:s12], [sflag:$0x1] =	stream.indirect_vreg.gather [hbm:s2], $0x80, v0, vm0, $0x38;
	[tilespmem:$0x1A340] =	vst v63  }
0x2c: {  	s15 =	sadd.s32 $0x10, s14;
	s13 =	sadd.s32 $0x400, s12  }
0x2d: {  	[tilespmem:s13], [sflag:$0x1] =	stream.indirect_vreg.gather [hbm:s2], $0x80, v0, vm1, $0x38;
	[tilespmem:$0x1A340] =	vst v63  }
0x2e: {  	s16 =	simm.s32 $0x80;
	v0 =	vld.msk [tilespmem:s15+$0x0 ss:$0x1], $0xffff;
	s15 =	smov.u32 s12  }
.LBB2_3:
0x2f: {  	p1 =	sne.s32 s16, $0x640;
	_ =	sdelay $0x4  }
0x30: {  	vm2 =	vgt.s32 v0, $0x0  }
0x31: {  	v0 =	vnsel vm2, $0x0, v0  }
0x32: {  	v0 =	vmin.u32 v0, $0x1963F  }
0x33: {  	v0 =	vshll.u32 v0, $0x4;
	_ =	sdelay $0x3  }
.Ltmp3:
0x34: {  	s17 =	sshra.s32 s16, $0x2;
	s15 =	sadd.s32 $0x800, s15;
	(pc) =	sbr.rel @p1 .LBB2_3-.Ltmp3, $4  }
0x35: {  	[tilespmem:s15], [sflag:$0x1] =	stream.indirect_vreg.gather [hbm:s2], $0x80, v0, vm0, $0x38;
	[tilespmem:$0x1A340] =	vst v63  }
0x36: {  	s17 =	sadd.s32 s17, s14;
	s18 =	sadd.s32 $0x400, s15  }
0x37: {  	[tilespmem:s18], [sflag:$0x1] =	stream.indirect_vreg.gather [hbm:s2], $0x80, v0, vm1, $0x38;
	[tilespmem:$0x1A340] =	vst v63  }
0x38: {  	s16 =	sadd.s32 $0x40, s16;
	v0 =	vld.msk [tilespmem:s17+$0x0 ss:$0x1], $0xffff  }
0x39: {  	_ =	sdelay $0x3  }
0x3a: {  	vm2 =	vgt.s32 v0, $0x0  }
0x3b: {  	v0 =	vnsel vm2, $0x0, v0  }
0x3c: {  	v0 =	vmin.u32 v0, $0x1963F  }
0x3d: {  	v0 =	vshll.u32 v0, $0x4;
	_ =	sdelay $0x3  }
0x3e: {  	s14 =	sadd.s32 $0x800, s15  }
0x3f: {  	[tilespmem:s14], [sflag:$0x1] =	stream.indirect_vreg.gather [hbm:s2], $0x80, v0, vm0, $0x38;
	[tilespmem:$0x1A340] =	vst v63  }
0x40: {  	s14 =	sadd.s32 $0x400, s14  }
0x41: {  	[tilespmem:s14], [sflag:$0x1] =	stream.indirect_vreg.gather [hbm:s2], $0x80, v0, vm1, $0x38;
	[tilespmem:$0x1A340] =	vst v63  }
0x42: {  	s11 =	sshll.u32 s11, $0x4;
	_ =	swait.ge [sflag:s3], $0xD000  }
0x43: {  	s11 =	sadd.s32 s11, s7;
	[sflag:s3] =	ssyncset.done $0x0  }
0x44: {  	s15 =	sadd.s32 $0x0, s11;
	s14 =	simm.s32 $0x80;
	[sflag:s3] =	ssyncadd.s32 $0xFFFF3000  }
.LBB2_5:
0x45: {  	[hbm:s15] =	stream.linear.scatter [tilespmem:s12], [sflag:$0x3], $0x400, $0x38;
	[tilespmem:$0x1A340] =	vst v63  }
0x46: {  	s15 =	smov.u32 s14;
	s12 =	smov.u32 s13;
	p1 =	sne.s32 s14, $0x1980  }
.Ltmp4:
0x47: {  	s14 =	sadd.s32 $0x80, s14;
	(pc) =	sbr.rel @p1 .LBB2_5-.Ltmp4, $2  }
0x48: {  	_ =	sdelay $0x2  }
0x49: {  	s13 =	sadd.s32 $0x400, s13;
	s15 =	sadd.s32 s15, s11  }
.Ltmp5:
0x4a: {  	_ = 	snop;
	(pc) =	sbr.rel .LBB2_6-.Ltmp5, $1  }
0x4b: {  	_ =	sdelay $0x3  }
.LBB2_8:
0x4c: {  	_ =	sfence.sel $0x180000  }
0x4d: {  	s2 =	simm.s32 $0x2;
	[bflag:$0x0] =	sbarrier.arrive $0xFFFF  }
0x4e: {  	s30 =	simm.s32 $0x3;
	[sflag:s2] =	ssyncpa.u1 $0x1  }
0x4f: {  	s31 =	simm.s32 $0x1;
	[sflag:s30] =	ssyncpa.u1 $0x1  }
0x50: {  	[sflag:s31] =	ssyncpa.u1 $0x1  }
0x51: {  	p0 =	sne.s32 s1, $0x0;
	_ =	strace $0x90000050  }
0x52: {  	s0 =	sadd.s32 @!p0 $0x100000, s0;
	[bflag:$0x2] =	sbarrier.arrive $0xFFFF  }
0x53: {  	[sflag:s0] =	ssyncadd.tile.s32 @!p0 $0x1;
	_ =	shalt  }
.Lfunc_end2:
_tile_overlayer_lowered:
.L_overlay_start_2:
0x54: {  	(tag) =	ssettag $0x2  }
0x55: {  	s0 =	rddreg [dreg:$0x0];
	s2 =	stileid.u32  }
0x56: {  	s1 =	rddreg [dreg:$0x1];
	p0 =	sne.s32 s2, $0x0  }
0x57: {  	s3 =	rddreg [dreg:$0x2];
	[bflag:$0x3] =	sbarrier.arrive $0xFFFF;
	s2 =	simm.s32 @!p0 $0x1C01  }
0x58: {  	[timem:s3], [sflag:s2] =	dma.local @!p0 [hbm:s0], s1  }
0x59: {  	s0 =	simm.s32 @!p0 $0x1  }
0x5a: {  	_ =	swait.ge @!p0 [sflag:s0], s1  }
0x5b: {  	s1 =	ssub.s32 @!p0 $0x0, s1;
	[sflag:s0] =	ssyncset.done @!p0 $0x0  }
0x5c: {  	[sflag:s0] =	ssyncadd.s32 @!p0 s1  }
0x5d: {  	[bflag:$0x3] =	sbarrier.arrive $0xFFFF  }
0x5e: {  	_ =	shalt  }

// kernel: gather_offload_async_start.4
scs
__scs_entry_jumppad:
0x0: {  	(pc) =	sbr.rel $0x88, $3  }
0x1: {  	(tag) =	ssettag $0x0;
	lr =	simm.s32 $0x1  }
0x2: {  	[smem:$0x3F9B] =	sst lr;
	_ =	strace $0xD0000000  }
0x3: {  	_ = 	snop  }
0x4: {  	_ = 	snop  }
0x5: {  	_ = 	snop  }
0x6: {  	_ = 	snop  }
0x7: {  	_ = 	snop  }
__scs_overlays_trampoline_lowered:
0x8: {  	[smem:$0x3FAA] =	sst s0  }
0x9: {  	[smem:$0x3FAB] =	sst s1  }
0xa: {  	[smem:$0x3FAC] =	sst s2  }
0xb: {  	[smem:$0x3FAD] =	sst s3  }
0xc: {  	[smem:$0x3FAE] =	sst s4  }
0xd: {  	[smem:$0x3FAF] =	sst s5  }
0xe: {  	[smem:$0x3FB0] =	sst s6  }
0xf: {  	[smem:$0x3FB1] =	sst s7  }
0x10: {  	[smem:$0x3FB2] =	sst s8  }
0x11: {  	[smem:$0x3FB3] =	sst s9;
	s0 =	simm.s32 @!p0 $0x0  }
0x12: {  	s1 =	sld [smem:$0x3F99];
	s0 =	simm.s32 @p0 $0x1  }
0x13: {  	[smem:$0x3FB4] =	sst s0;
	s0 =	simm.s32 @!p1 $0x0  }
0x14: {  	s2 =	sld [smem:$0x3F98];
	s0 =	simm.s32 @p1 $0x1  }
0x15: {  	[smem:$0x3FB5] =	sst s0;
	s0 =	simm.s32 @!p2 $0x0  }
0x16: {  	s3 =	sld [smem:$0x3FDB];
	s0 =	simm.s32 @p2 $0x1  }
0x17: {  	s4 =	simm.s32 $0x1BF5;
	[smem:$0x3FB7] =	sst s0  }
0x18: {  	s0 =	sld [smem:$0x3F9A];
	_ =	swait.ge [sflag:s4], $0x0  }
0x19: {  	s7 =	sld [smem:$0x3F9B]  }
0x1a: {  	s8 =	sadd.s32 $0xFFFFE003, lr  }
0x1b: {  	s9 =	sadd.s32 $0xFFFFFEF7, lr;
	s5 =	simm.s32 $0xFFFFFFFF;
	p2 =	slt.u32 s8, $0xFFFFF086  }
0x1c: {  	p1 =	slt.u32 s9, $0xF7A;
	s5 =	simm.s32 @!p2 $0x0  }
0x1d: {  	s5 =	simm.s32 @p1 $0x1;
	p0 =	seq.s32 s7, s2  }
0x1e: {  	s7 =	smul.u32 @!p0 $0xF7A, s2;
	p2 =	seq.s32 @!p0 s5, $0x0  }
0x1f: {  	s9 =	smul.u32 $0xF7A, s1;
	s8 =	simm.s32 @!p0 $0x1BF5;
	p2 =	por !p2, p0  }
0x20: {  	[sflag:s8] =	ssyncset.s32 @!p0 $0xFFFFF086;
	s6 =	sadd.s32 @!p0 s3, s7;
	s7 =	simm.s32 @!p0 $0x108  }
0x21: {  	s3 =	sadd.s32 s3, s9;
	s6 =	sadd.s32 @!p0 $0x88, s6;
	s7 =	simm.s32 @p2 $0x1082  }
0x22: {  	[simem:s7], [sflag:s8] =	dma.local @!p0 [hbm:s6], $0xF7A  }
0x23: {  	s9 =	sor.u32 $0xD0000000, s2;
	s6 =	simm.s32 $0x108;
	_ =	swait.ge @!p0 [sflag:s8], $0x0  }
0x24: {  	s3 =	sadd.s32 $0x88, s3;
	s6 =	simm.s32 @!p1 $0x1082;
	[sflag:s4] =	ssyncset.s32 $0xFFFFF086  }
0x25: {  	[simem:s6], [sflag:s4] =	dma.local [hbm:s3], $0xF7A  }
0x26: {  	[smem:$0x3F9B] =	sst s1;
	(tag) =	ssettag s2;
	_ =	strace s9  }
0x27: {  	s1 =	sld [smem:$0x3FAB]  }
0x28: {  	s2 =	sld [smem:$0x3FAC]  }
0x29: {  	s4 =	sld [smem:$0x3FAE]  }
0x2a: {  	p0 =	seq.s32 s5, $0x0;
	s5 =	sld [smem:$0x3FAF]  }
0x2b: {  	s6 =	sld [smem:$0x3FB0]  }
0x2c: {  	s7 =	sld [smem:$0x3FB1]  }
0x2d: {  	s3 =	simm.s32 $0x108;
	s8 =	sld [smem:$0x3FB2]  }
0x2e: {  	s3 =	simm.s32 @!p0 $0x1082;
	s9 =	sld [smem:$0x3FB3]  }
0x2f: {  	lr =	sadd.s32 s0, s3;
	s0 =	sld [smem:$0x3FAA]  }
0x30: {  	s3 =	sld [smem:$0x3FAD]  }
0x31: {  	[smem:$0x3FB6] =	sst s10  }
0x32: {  	s10 =	sld [smem:$0x3FB4];
	_ =	sdelay $0x3  }
0x33: {  	p0 =	seq.s32 s10, $0x1;
	s10 =	sld [smem:$0x3FB6];
	_ =	sdelay $0x3  }
0x34: {  	[smem:$0x3FB6] =	sst s10  }
0x35: {  	s10 =	sld [smem:$0x3FB5];
	_ =	sdelay $0x3  }
0x36: {  	p1 =	seq.s32 s10, $0x1;
	s10 =	sld [smem:$0x3FB6];
	_ =	sdelay $0x3  }
0x37: {  	[smem:$0x3FB6] =	sst s10  }
0x38: {  	s10 =	sld [smem:$0x3FB7]  }
0x39: {  	_ = 	snop;
	(pc) =	sbr.ind lr, $3  }
0x3a: {  	_ = 	snop  }
0x3b: {  	_ = 	snop  }
0x3c: {  	p2 =	seq.s32 s10, $0x1;
	s10 =	sld [smem:$0x3FB6]  }
0x3d: {  	_ =	shalt  }
0x3e: {  	_ =	shalt  }
0x3f: {  	_ =	shalt  }
0x40: {  	_ =	shalt  }
0x41: {  	_ =	shalt  }
0x42: {  	_ =	shalt  }
0x43: {  	_ =	shalt  }
0x44: {  	_ =	shalt  }
0x45: {  	_ =	shalt  }
0x46: {  	_ =	shalt  }
0x47: {  	_ =	shalt  }
0x48: {  	_ =	shalt  }
0x49: {  	_ =	shalt  }
0x4a: {  	_ =	shalt  }
0x4b: {  	_ =	shalt  }
0x4c: {  	_ =	shalt  }
0x4d: {  	_ =	shalt  }
0x4e: {  	_ =	shalt  }
0x4f: {  	_ =	shalt  }
0x50: {  	_ =	shalt  }
0x51: {  	_ =	shalt  }
0x52: {  	_ =	shalt  }
0x53: {  	_ =	shalt  }
0x54: {  	_ =	shalt  }
0x55: {  	_ =	shalt  }
0x56: {  	_ =	shalt  }
0x57: {  	_ =	shalt  }
0x58: {  	_ =	shalt  }
0x59: {  	_ =	shalt  }
0x5a: {  	_ =	shalt  }
0x5b: {  	_ =	shalt  }
0x5c: {  	_ =	shalt  }
0x5d: {  	_ =	shalt  }
0x5e: {  	_ =	shalt  }
0x5f: {  	_ =	shalt  }
0x60: {  	_ =	shalt  }
0x61: {  	_ =	shalt  }
0x62: {  	_ =	shalt  }
0x63: {  	_ =	shalt  }
0x64: {  	_ =	shalt  }
0x65: {  	_ =	shalt  }
0x66: {  	_ =	shalt  }
0x67: {  	_ =	shalt  }
0x68: {  	_ =	shalt  }
0x69: {  	_ =	shalt  }
0x6a: {  	_ =	shalt  }
0x6b: {  	_ =	shalt  }
0x6c: {  	_ =	shalt  }
0x6d: {  	_ =	shalt  }
0x6e: {  	_ =	shalt  }
0x6f: {  	_ =	shalt  }
0x70: {  	_ =	shalt  }
0x71: {  	_ =	shalt  }
0x72: {  	_ =	shalt  }
0x73: {  	_ =	shalt  }
0x74: {  	_ =	shalt  }
0x75: {  	_ =	shalt  }
0x76: {  	_ =	shalt  }
0x77: {  	_ =	shalt  }
0x78: {  	_ =	shalt  }
0x79: {  	_ =	shalt  }
0x7a: {  	_ =	shalt  }
0x7b: {  	_ =	shalt  }
0x7c: {  	_ =	shalt  }
0x7d: {  	_ =	shalt  }
0x7e: {  	_ =	shalt  }
0x7f: {  	_ =	shalt  }
0x80: {  	_ =	shalt  }
0x81: {  	_ =	shalt  }
0x82: {  	_ =	shalt  }
0x83: {  	_ =	shalt  }
0x84: {  	_ =	shalt  }
0x85: {  	_ =	shalt  }
0x86: {  	_ =	shalt  }
0x87: {  	_ =	shalt  }
.Lfunc_end0:
.L_simem_size_0:
called_computation.4_lowered:
.L_overlay_start_0:
0x88: {  	s2 =	sld [smem:$0x3FD9]  }
0x89: {  	s3 =	sld [smem:$0x3FFE];
	_ =	sdelay $0x1  }
0x8a: {  	s1 =	srdreg.scid  }
0x8b: {  	s0 =	sand.u32 $0x1, s1  }
0x8c: {  	s17 =	sshll.u32 s0, $0xA;
	s2 =	sadd.s32 s3, s2  }
0x8d: {  	s2 =	sadd.s32 s2, s17  }
0x8e: {  	[smem:$0x3FC2] =	sst s2  }
0x8f: {  	_ = 	snop  }
0x90: {  	(tm) =	ssettm $0x1  }
0x91: {  	s18 =	sld [smem:$0x3FFB];
	_ =	sdelay $0x3  }
0x92: {  	_ =	strace s18  }
0x93: {  	s2 =	sld [smem:$0x3FFC];
	_ =	sdelay $0x3  }
0x94: {  	_ =	strace s2  }
0x95: {  	s2 =	sld [smem:$0x3FFD];
	_ =	sdelay $0x3  }
0x96: {  	_ =	strace s2  }
0x97: {  	_ =	strace $0x8FFFFFFF  }
0x98: {  	s19 =	sld [smem:$0x3FDB];
	_ =	sdelay $0x1  }
0x99: {  	s20 =	simm.s32 $_scs_section_size  }
0x9a: {  	s4 =	simm.s32 $_size__tile_overlayer_lowered;
	s5 =	simm.s32 $_tile_overlayer_lowered  }
0x9b: {  	s6 =	simm.s32 $0x1BFF;
	s21 =	sshll.u32 s5, $0x1;
	s3 =	sadd.s32 s20, s19  }
0x9c: {  	s22 =	simm.s32 $0x0;
	s4 =	sshll.u32 s4, $0x1;
	s5 =	sadd.s32 s21, s3  }
0x9d: {  	[timem:s22], [sflag:s6] =	dma.local [hbm:s5], s4  }
0x9e: {  	_ =	swait.ge [sflag:s6], s4  }
0x9f: {  	s4 =	ssub.s32 $0x0, s4;
	[sflag:s6] =	ssyncset.done $0x0  }
0xa0: {  	[sflag:s6] =	ssyncadd.s32 s4;
	_ =	sdelay $0x1  }
0xa1: {  	s23 =	simm.s32 $0x1B8B  }
0xa2: {  	_ =	swait.ge [sflag:s23], $0x1  }
0xa3: {  	[sflag:s23] =	ssyncset.done $0x0  }
0xa4: {  	[sflag:s23] =	ssyncadd.s32 $0xFFFFFFFF  }
0xa5: {  	s4 =	sld [smem:$0x0]  }
0xa6: {  	s5 =	sand.u32 $0xFFFFFFFE, s1  }
0xa7: {  	p0 =	sne.s32 s1, s5  }
0xa8: {  	s5 =	sshll.u32 @p0 s5, $0xE  }
0xa9: {  	s5 =	sadd.s32 @p0 $0x11B8D, s5;
	s6 =	sshll.u32 @p0 s4, $0x11  }
0xaa: {  	s5 =	sor.u32 @p0 s6, s5  }
0xab: {  	[sflag:s5] =	ssyncadd.remote.s32 @p0 $0x1;
	_ =	sdelay $0x1  }
0xac: {  	s5 =	simm.s32 @p0 $0x1B8D  }
0xad: {  	_ =	swait.eq @p0 [sflag:s5], $0x1  }
0xae: {  	[sflag:s5] =	ssyncadd.s32 @p0 $0xFFFFFFFF  }
0xaf: {  	s6 =	sshll.u32 @!p0 s1, $0xE  }
0xb0: {  	s6 =	sor.u32 @!p0 $0x4000, s6;
	s5 =	simm.s32 @!p0 $0x1B8D  }
0xb1: {  	s4 =	sshll.u32 @!p0 s4, $0x11;
	s6 =	sadd.s32 @!p0 $0x11B8D, s6;
	_ =	swait.eq @!p0 [sflag:s5], $0x1  }
0xb2: {  	s4 =	sor.u32 @!p0 s4, s6;
	[sflag:s5] =	ssyncadd.s32 @!p0 $0xFFFFFFFF  }
0xb3: {  	s25 =	simm.s32 $0x1B8E;
	s24 =	sld [smem:$0x3FFE];
	[sflag:s4] =	ssyncadd.remote.s32 @!p0 $0x1  }
0xb4: {  	s26 =	simm.s32 $execute0_lowered;
	[smem:$0x3FD2] =	sst s25  }
0xb5: {  	s5 =	sshll.u32 s26, $0x1;
	_ =	strace $0x80000052;
	[dreg:$0x1] =	wrdreg $0xFFFFFFFF  }
0xb6: {  	s28 =	simm.s32 $_size_execute0_lowered;
	s3 =	sadd.s32 s3, s5;
	[dreg:$0x0] =	wrdreg $0x0  }
0xb7: {  	s5 =	sshll.u32 s28, $0x1;
	[dreg:$0x2] =	wrdreg s3  }
0xb8: {  	[dreg:$0x3] =	wrdreg s5  }
0xb9: {  	[dreg:$0x4] =	wrdreg $0xC0  }
0xba: {  	_ =	task [dreg:s22], $0x5FFFF  }
0xbb: {  	[dreg:$0x1] =	wrdreg $0xFFFFFFFF  }
0xbc: {  	[dreg:$0x0] =	wrdreg $0x60  }
0xbd: {  	[dreg:$0x2] =	wrdreg s24  }
0xbe: {  	[dreg:$0x3] =	wrdreg $0xC  }
0xbf: {  	_ =	task.clear_ibuf [dreg:s22], $0x4FFFF;
	_ =	strace $0x90000052  }
0xc0: {  	s29 =	simm.s32 $0xC;
	_ =	strace $0x80000054  }
0xc1: {  	_ =	swait.ge [sflag:s29], $0x1  }
0xc2: {  	[sflag:s29] =	ssyncadd.s32 $0xFFFFFFFF  }
0xc3: {  	_ =	strace $0x90000054  }
0xc4: {  	_ =	sfence  }
0xc5: {  	s30 =	sld [smem:$0x0];
	_ =	sdelay $0x2  }
0xc6: {  	s31 =	sshll.u32 s1, $0xD;
	s1 =	sshrl.u32 s1, $0x2  }
0xc7: {  	s4 =	sand.u32 $0x4000, s31;
	s1 =	sadd.s32 s1, s30  }
0xc8: {  	s0 =	sor.u32 s4, s0;
	s1 =	sshll.u32 s1, $0x11  }
0xc9: {  	s0 =	sor.u32 s1, s0  }
0xca: {  	s0 =	sadd.s32 $0x8F2B, s0  }
0xcb: {  	[sflag:s0] =	ssyncadd.remote.s32 $0x1  }
0xcc: {  	_ =	sfence.sel $0xFFFF  }
0xcd: {  	[dreg:$0x0] =	wrdreg $0xFFFFFFFF;
	(pc) =	sbr.abs _section_cstart, $3  }
0xce: {  	[dreg:$0x1] =	wrdreg $0xFFFFFFFF  }
0xcf: {  	_ =	task.clear_ibuf [dreg:s22], $0x2FFFF;
	_ =	strace $0x9FFFFFFF  }
0xd0: {  	(tm) =	ssettm $0x7FFFFFFF  }
0xd1: {  	_ =	shalt  }
tec
execute0_lowered:
.L_overlay_start_1:
0x0: {  	(tag) =	ssettag $0x1  }
0x1: {  	s7 =	rddreg [dreg:$0x0]  }
0x2: {  	s1 =	srdreg.scid;
	s0 =	rddreg [dreg:$0x1]  }
0x3: {  	_ =	strace $0x80000053;
	s3 =	simm.s32 $0x1;
	s5 =	simm.s32 $0x2  }
0x4: {  	s9 =	simm.s32 $0x3;
	s11 =	simm.s32 $0x0;
	s2 =	sshll.u32 s1, $0x4  }
.Ltmp0:
0x5: {  	s1 =	stileid.u32;
	s4 =	sand.u32 $0x10, s2;
	(pc) =	sbr.rel .LBB2_1-.Ltmp0, $4  }
0x6: {  	p0 =	por $0x0, $0x0;
	[sflag:s3] =	ssyncpa.u1 $0x0;
	s4 =	sor.u32 s1, s4  }
0x7: {  	s6 =	sadd.s32 $0x19000, s7;
	[sflag:s5] =	ssyncpa.u1 $0x0;
	s4 =	smul.u32 $0xD00, s4  }
0x8: {  	s2 =	sadd.s32 $0xA8DC00, s7;
	s7 =	sadd.s32 $0xC24000, s7;
	[sflag:s9] =	ssyncpa.u1 $0x0  }
0x9: {  	vm0 =	vmmov $0xff;
	vm1 =	vcmask $0x3F20;
	s9 =	simm.s32 $0x0;
	s8 =	sadd.s32 $0xD00, s4;
	s10 =	smov.u32 s4  }
.LBB2_6:
0xa: {  	[hbm:s15] =	stream.linear.scatter [tilespmem:s12], [sflag:$0x3], $0x400, $0x38;
	[tilespmem:$0x1A340] =	vst v63  }
.LBB2_7:
0xb: {  	p1 =	slt.u32 s9, $0x2;
	s11 =	sadd.s32 $0x1A0, s10  }
0xc: {  	s13 =	smov.u32 s4;
	s9 =	sadd.s32 $0x1, s9;
	p2 =	slt.s32 s11, s8  }
0xd: {  	s13 =	smov.u32 @p2 s11;
	p2 =	sne.s32 s9, $0xA  }
.Ltmp1:
0xe: {  	_ = 	snop;
	(pc) =	sbr.rel @!p2 .LBB2_8-.Ltmp1, $4  }
0xf: {  	s12 =	simm.s32 @!p1 $0x3  }
0x10: {  	_ =	swait.ge @!p1 [sflag:s12], $0xD000  }
0x11: {  	p0 =	por !p0, !p0;
	[sflag:s12] =	ssyncset.done @!p1 $0x0  }
0x12: {  	s11 =	smov.u32 s10;
	s10 =	smov.u32 s13;
	[sflag:s12] =	ssyncadd.s32 @!p1 $0xFFFF3000  }
.LBB2_1:
0x13: {  	p1 =	sgt.u32 s9, $0x7  }
0x14: {  	s12 =	sxor.u32 @!p1 $0xFFFFFFFF, s9  }
0x15: {  	s12 =	sand.u32 @!p1 $0x1, s12  }
0x16: {  	s12 =	smul.u32 @!p1 $0x680, s12  }
0x17: {  	s31 =	sadd.s32 $0xFFFFFFFF, s9;
	s13 =	sshrl.u32 @!p1 s10, $0x3  }
0x18: {  	s14 =	sand.u32 @!p1 $0x7, s10;
	s13 =	sadd.s32 @!p1 s6, s13;
	s12 =	sshrl.u32 @!p1 s12, $0x2  }
0x19: {  	[tilespmem:s12], [sflag:$0x2] =	stream.linear.gather @!p1 [hbm4b:s13+s14], $0x1A0, $0x38;
	[tilespmem:$0x1A340] =	vst v63  }
0x1a: {  	p1 =	sgt.u32 s31, $0x7  }
.Ltmp2:
0x1b: {  	_ = 	snop;
	(pc) =	sbr.rel @p1 .LBB2_7-.Ltmp2, $1  }
0x1c: {  	_ =	sdelay $0x3  }
0x1d: {  	s12 =	simm.s32 $0x1  }
0x1e: {  	s12 =	simm.s32 @!p0 $0x0  }
0x1f: {  	s13 =	smul.u32 $0x680, s12  }
0x20: {  	_ =	swait.ge [sflag:s5], $0x1A0  }
0x21: {  	[sflag:s5] =	ssyncset.done $0x0;
	s14 =	sshrl.u32 s13, $0x2  }
0x22: {  	[sflag:s5] =	ssyncadd.s32 $0xFFFFFE60;
	s13 =	sadd.s32 $0x0, s14  }
0x23: {  	v0 =	vld.msk [tilespmem:s13+$0x0 ss:$0x1], $0xffff;
	_ =	sdelay $0x4  }
0x24: {  	vm2 =	vgt.s32 v0, $0x0  }
0x25: {  	v0 =	vnsel vm2, $0x0, v0  }
0x26: {  	v0 =	vmin.u32 v0, $0x1963F  }
0x27: {  	v0 =	vshll.u32 v0, $0x4  }
0x28: {  	s12 =	smul.u32 $0x34000, s12;
	_ =	sdelay $0x1  }
0x29: {  	s12 =	sshrl.u32 s12, $0x2  }
0x2a: {  	s12 =	sor.u32 $0x340, s12  }
0x2b: {  	[tilespmem:s12], [sflag:$0x1] =	stream.indirect_vreg.gather [hbm:s2], $0x80, v0, vm0, $0x38;
	[tilespmem:$0x1A340] =	vst v63  }
0x2c: {  	s15 =	sadd.s32 $0x10, s14;
	s13 =	sadd.s32 $0x400, s12  }
0x2d: {  	[tilespmem:s13], [sflag:$0x1] =	stream.indirect_vreg.gather [hbm:s2], $0x80, v0, vm1, $0x38;
	[tilespmem:$0x1A340] =	vst v63  }
0x2e: {  	s16 =	simm.s32 $0x80;
	v0 =	vld.msk [tilespmem:s15+$0x0 ss:$0x1], $0xffff;
	s15 =	smov.u32 s12  }
.LBB2_3:
0x2f: {  	p1 =	sne.s32 s16, $0x640;
	_ =	sdelay $0x4  }
0x30: {  	vm2 =	vgt.s32 v0, $0x0  }
0x31: {  	v0 =	vnsel vm2, $0x0, v0  }
0x32: {  	v0 =	vmin.u32 v0, $0x1963F  }
0x33: {  	v0 =	vshll.u32 v0, $0x4;
	_ =	sdelay $0x3  }
.Ltmp3:
0x34: {  	s17 =	sshra.s32 s16, $0x2;
	s15 =	sadd.s32 $0x800, s15;
	(pc) =	sbr.rel @p1 .LBB2_3-.Ltmp3, $4  }
0x35: {  	[tilespmem:s15], [sflag:$0x1] =	stream.indirect_vreg.gather [hbm:s2], $0x80, v0, vm0, $0x38;
	[tilespmem:$0x1A340] =	vst v63  }
0x36: {  	s17 =	sadd.s32 s17, s14;
	s18 =	sadd.s32 $0x400, s15  }
0x37: {  	[tilespmem:s18], [sflag:$0x1] =	stream.indirect_vreg.gather [hbm:s2], $0x80, v0, vm1, $0x38;
	[tilespmem:$0x1A340] =	vst v63  }
0x38: {  	s16 =	sadd.s32 $0x40, s16;
	v0 =	vld.msk [tilespmem:s17+$0x0 ss:$0x1], $0xffff  }
0x39: {  	_ =	sdelay $0x3  }
0x3a: {  	vm2 =	vgt.s32 v0, $0x0  }
0x3b: {  	v0 =	vnsel vm2, $0x0, v0  }
0x3c: {  	v0 =	vmin.u32 v0, $0x1963F  }
0x3d: {  	v0 =	vshll.u32 v0, $0x4;
	_ =	sdelay $0x3  }
0x3e: {  	s14 =	sadd.s32 $0x800, s15  }
0x3f: {  	[tilespmem:s14], [sflag:$0x1] =	stream.indirect_vreg.gather [hbm:s2], $0x80, v0, vm0, $0x38;
	[tilespmem:$0x1A340] =	vst v63  }
0x40: {  	s14 =	sadd.s32 $0x400, s14  }
0x41: {  	[tilespmem:s14], [sflag:$0x1] =	stream.indirect_vreg.gather [hbm:s2], $0x80, v0, vm1, $0x38;
	[tilespmem:$0x1A340] =	vst v63  }
0x42: {  	s11 =	sshll.u32 s11, $0x4;
	_ =	swait.ge [sflag:s3], $0xD000  }
0x43: {  	s11 =	sadd.s32 s11, s7;
	[sflag:s3] =	ssyncset.done $0x0  }
0x44: {  	s15 =	sadd.s32 $0x0, s11;
	s14 =	simm.s32 $0x80;
	[sflag:s3] =	ssyncadd.s32 $0xFFFF3000  }
.LBB2_5:
0x45: {  	[hbm:s15] =	stream.linear.scatter [tilespmem:s12], [sflag:$0x3], $0x400, $0x38;
	[tilespmem:$0x1A340] =	vst v63  }
0x46: {  	s15 =	smov.u32 s14;
	s12 =	smov.u32 s13;
	p1 =	sne.s32 s14, $0x1980  }
.Ltmp4:
0x47: {  	s14 =	sadd.s32 $0x80, s14;
	(pc) =	sbr.rel @p1 .LBB2_5-.Ltmp4, $2  }
0x48: {  	_ =	sdelay $0x2  }
0x49: {  	s13 =	sadd.s32 $0x400, s13;
	s15 =	sadd.s32 s15, s11  }
.Ltmp5:
0x4a: {  	_ = 	snop;
	(pc) =	sbr.rel .LBB2_6-.Ltmp5, $1  }
0x4b: {  	_ =	sdelay $0x3  }
.LBB2_8:
0x4c: {  	_ =	sfence.sel $0x180000  }
0x4d: {  	s2 =	simm.s32 $0x2;
	[bflag:$0x0] =	sbarrier.arrive $0xFFFF  }
0x4e: {  	s30 =	simm.s32 $0x3;
	[sflag:s2] =	ssyncpa.u1 $0x1  }
0x4f: {  	s31 =	simm.s32 $0x1;
	[sflag:s30] =	ssyncpa.u1 $0x1  }
0x50: {  	[sflag:s31] =	ssyncpa.u1 $0x1  }
0x51: {  	p0 =	sne.s32 s1, $0x0;
	_ =	strace $0x90000053  }
0x52: {  	s0 =	sadd.s32 @!p0 $0x100000, s0;
	[bflag:$0x2] =	sbarrier.arrive $0xFFFF  }
0x53: {  	[sflag:s0] =	ssyncadd.tile.s32 @!p0 $0x1;
	_ =	shalt  }
.Lfunc_end2:
_tile_overlayer_lowered:
.L_overlay_start_2:
0x54: {  	(tag) =	ssettag $0x2  }
0x55: {  	s0 =	rddreg [dreg:$0x0];
	s2 =	stileid.u32  }
0x56: {  	s1 =	rddreg [dreg:$0x1];
	p0 =	sne.s32 s2, $0x0  }
0x57: {  	s3 =	rddreg [dreg:$0x2];
	[bflag:$0x3] =	sbarrier.arrive $0xFFFF;
	s2 =	simm.s32 @!p0 $0x1C01  }
0x58: {  	[timem:s3], [sflag:s2] =	dma.local @!p0 [hbm:s0], s1  }
0x59: {  	s0 =	simm.s32 @!p0 $0x1  }
0x5a: {  	_ =	swait.ge @!p0 [sflag:s0], s1  }
0x5b: {  	s1 =	ssub.s32 @!p0 $0x0, s1;
	[sflag:s0] =	ssyncset.done @!p0 $0x0  }
0x5c: {  	[sflag:s0] =	ssyncadd.s32 @!p0 s1  }
0x5d: {  	[bflag:$0x3] =	sbarrier.arrive $0xFFFF  }
0x5e: {  	_ =	shalt  }

// kernel: gather_offload_async_start.5
scs
__scs_entry_jumppad:
0x0: {  	(pc) =	sbr.rel $0x88, $3  }
0x1: {  	(tag) =	ssettag $0x0;
	lr =	simm.s32 $0x1  }
0x2: {  	[smem:$0x3F9B] =	sst lr;
	_ =	strace $0xD0000000  }
0x3: {  	_ = 	snop  }
0x4: {  	_ = 	snop  }
0x5: {  	_ = 	snop  }
0x6: {  	_ = 	snop  }
0x7: {  	_ = 	snop  }
__scs_overlays_trampoline_lowered:
0x8: {  	[smem:$0x3FAA] =	sst s0  }
0x9: {  	[smem:$0x3FAB] =	sst s1  }
0xa: {  	[smem:$0x3FAC] =	sst s2  }
0xb: {  	[smem:$0x3FAD] =	sst s3  }
0xc: {  	[smem:$0x3FAE] =	sst s4  }
0xd: {  	[smem:$0x3FAF] =	sst s5  }
0xe: {  	[smem:$0x3FB0] =	sst s6  }
0xf: {  	[smem:$0x3FB1] =	sst s7  }
0x10: {  	[smem:$0x3FB2] =	sst s8  }
0x11: {  	[smem:$0x3FB3] =	sst s9;
	s0 =	simm.s32 @!p0 $0x0  }
0x12: {  	s1 =	sld [smem:$0x3F99];
	s0 =	simm.s32 @p0 $0x1  }
0x13: {  	[smem:$0x3FB4] =	sst s0;
	s0 =	simm.s32 @!p1 $0x0  }
0x14: {  	s2 =	sld [smem:$0x3F98];
	s0 =	simm.s32 @p1 $0x1  }
0x15: {  	[smem:$0x3FB5] =	sst s0;
	s0 =	simm.s32 @!p2 $0x0  }
0x16: {  	s3 =	sld [smem:$0x3FDB];
	s0 =	simm.s32 @p2 $0x1  }
0x17: {  	s4 =	simm.s32 $0x1BF5;
	[smem:$0x3FB7] =	sst s0  }
0x18: {  	s0 =	sld [smem:$0x3F9A];
	_ =	swait.ge [sflag:s4], $0x0  }
0x19: {  	s7 =	sld [smem:$0x3F9B]  }
0x1a: {  	s8 =	sadd.s32 $0xFFFFE003, lr  }
0x1b: {  	s9 =	sadd.s32 $0xFFFFFEF7, lr;
	s5 =	simm.s32 $0xFFFFFFFF;
	p2 =	slt.u32 s8, $0xFFFFF086  }
0x1c: {  	p1 =	slt.u32 s9, $0xF7A;
	s5 =	simm.s32 @!p2 $0x0  }
0x1d: {  	s5 =	simm.s32 @p1 $0x1;
	p0 =	seq.s32 s7, s2  }
0x1e: {  	s7 =	smul.u32 @!p0 $0xF7A, s2;
	p2 =	seq.s32 @!p0 s5, $0x0  }
0x1f: {  	s9 =	smul.u32 $0xF7A, s1;
	s8 =	simm.s32 @!p0 $0x1BF5;
	p2 =	por !p2, p0  }
0x20: {  	[sflag:s8] =	ssyncset.s32 @!p0 $0xFFFFF086;
	s6 =	sadd.s32 @!p0 s3, s7;
	s7 =	simm.s32 @!p0 $0x108  }
0x21: {  	s3 =	sadd.s32 s3, s9;
	s6 =	sadd.s32 @!p0 $0x88, s6;
	s7 =	simm.s32 @p2 $0x1082  }
0x22: {  	[simem:s7], [sflag:s8] =	dma.local @!p0 [hbm:s6], $0xF7A  }
0x23: {  	s9 =	sor.u32 $0xD0000000, s2;
	s6 =	simm.s32 $0x108;
	_ =	swait.ge @!p0 [sflag:s8], $0x0  }
0x24: {  	s3 =	sadd.s32 $0x88, s3;
	s6 =	simm.s32 @!p1 $0x1082;
	[sflag:s4] =	ssyncset.s32 $0xFFFFF086  }
0x25: {  	[simem:s6], [sflag:s4] =	dma.local [hbm:s3], $0xF7A  }
0x26: {  	[smem:$0x3F9B] =	sst s1;
	(tag) =	ssettag s2;
	_ =	strace s9  }
0x27: {  	s1 =	sld [smem:$0x3FAB]  }
0x28: {  	s2 =	sld [smem:$0x3FAC]  }
0x29: {  	s4 =	sld [smem:$0x3FAE]  }
0x2a: {  	p0 =	seq.s32 s5, $0x0;
	s5 =	sld [smem:$0x3FAF]  }
0x2b: {  	s6 =	sld [smem:$0x3FB0]  }
0x2c: {  	s7 =	sld [smem:$0x3FB1]  }
0x2d: {  	s3 =	simm.s32 $0x108;
	s8 =	sld [smem:$0x3FB2]  }
0x2e: {  	s3 =	simm.s32 @!p0 $0x1082;
	s9 =	sld [smem:$0x3FB3]  }
0x2f: {  	lr =	sadd.s32 s0, s3;
	s0 =	sld [smem:$0x3FAA]  }
0x30: {  	s3 =	sld [smem:$0x3FAD]  }
0x31: {  	[smem:$0x3FB6] =	sst s10  }
0x32: {  	s10 =	sld [smem:$0x3FB4];
	_ =	sdelay $0x3  }
0x33: {  	p0 =	seq.s32 s10, $0x1;
	s10 =	sld [smem:$0x3FB6];
	_ =	sdelay $0x3  }
0x34: {  	[smem:$0x3FB6] =	sst s10  }
0x35: {  	s10 =	sld [smem:$0x3FB5];
	_ =	sdelay $0x3  }
0x36: {  	p1 =	seq.s32 s10, $0x1;
	s10 =	sld [smem:$0x3FB6];
	_ =	sdelay $0x3  }
0x37: {  	[smem:$0x3FB6] =	sst s10  }
0x38: {  	s10 =	sld [smem:$0x3FB7]  }
0x39: {  	_ = 	snop;
	(pc) =	sbr.ind lr, $3  }
0x3a: {  	_ = 	snop  }
0x3b: {  	_ = 	snop  }
0x3c: {  	p2 =	seq.s32 s10, $0x1;
	s10 =	sld [smem:$0x3FB6]  }
0x3d: {  	_ =	shalt  }
0x3e: {  	_ =	shalt  }
0x3f: {  	_ =	shalt  }
0x40: {  	_ =	shalt  }
0x41: {  	_ =	shalt  }
0x42: {  	_ =	shalt  }
0x43: {  	_ =	shalt  }
0x44: {  	_ =	shalt  }
0x45: {  	_ =	shalt  }
0x46: {  	_ =	shalt  }
0x47: {  	_ =	shalt  }
0x48: {  	_ =	shalt  }
0x49: {  	_ =	shalt  }
0x4a: {  	_ =	shalt  }
0x4b: {  	_ =	shalt  }
0x4c: {  	_ =	shalt  }
0x4d: {  	_ =	shalt  }
0x4e: {  	_ =	shalt  }
0x4f: {  	_ =	shalt  }
0x50: {  	_ =	shalt  }
0x51: {  	_ =	shalt  }
0x52: {  	_ =	shalt  }
0x53: {  	_ =	shalt  }
0x54: {  	_ =	shalt  }
0x55: {  	_ =	shalt  }
0x56: {  	_ =	shalt  }
0x57: {  	_ =	shalt  }
0x58: {  	_ =	shalt  }
0x59: {  	_ =	shalt  }
0x5a: {  	_ =	shalt  }
0x5b: {  	_ =	shalt  }
0x5c: {  	_ =	shalt  }
0x5d: {  	_ =	shalt  }
0x5e: {  	_ =	shalt  }
0x5f: {  	_ =	shalt  }
0x60: {  	_ =	shalt  }
0x61: {  	_ =	shalt  }
0x62: {  	_ =	shalt  }
0x63: {  	_ =	shalt  }
0x64: {  	_ =	shalt  }
0x65: {  	_ =	shalt  }
0x66: {  	_ =	shalt  }
0x67: {  	_ =	shalt  }
0x68: {  	_ =	shalt  }
0x69: {  	_ =	shalt  }
0x6a: {  	_ =	shalt  }
0x6b: {  	_ =	shalt  }
0x6c: {  	_ =	shalt  }
0x6d: {  	_ =	shalt  }
0x6e: {  	_ =	shalt  }
0x6f: {  	_ =	shalt  }
0x70: {  	_ =	shalt  }
0x71: {  	_ =	shalt  }
0x72: {  	_ =	shalt  }
0x73: {  	_ =	shalt  }
0x74: {  	_ =	shalt  }
0x75: {  	_ =	shalt  }
0x76: {  	_ =	shalt  }
0x77: {  	_ =	shalt  }
0x78: {  	_ =	shalt  }
0x79: {  	_ =	shalt  }
0x7a: {  	_ =	shalt  }
0x7b: {  	_ =	shalt  }
0x7c: {  	_ =	shalt  }
0x7d: {  	_ =	shalt  }
0x7e: {  	_ =	shalt  }
0x7f: {  	_ =	shalt  }
0x80: {  	_ =	shalt  }
0x81: {  	_ =	shalt  }
0x82: {  	_ =	shalt  }
0x83: {  	_ =	shalt  }
0x84: {  	_ =	shalt  }
0x85: {  	_ =	shalt  }
0x86: {  	_ =	shalt  }
0x87: {  	_ =	shalt  }
.Lfunc_end0:
.L_simem_size_0:
called_computation.5_lowered:
.L_overlay_start_0:
0x88: {  	s2 =	sld [smem:$0x3FD9]  }
0x89: {  	s3 =	sld [smem:$0x3FFE];
	_ =	sdelay $0x1  }
0x8a: {  	s1 =	srdreg.scid  }
0x8b: {  	s0 =	sand.u32 $0x1, s1  }
0x8c: {  	s17 =	sshll.u32 s0, $0xA;
	s2 =	sadd.s32 s3, s2  }
0x8d: {  	s2 =	sadd.s32 s2, s17  }
0x8e: {  	[smem:$0x3FC2] =	sst s2  }
0x8f: {  	_ = 	snop  }
0x90: {  	(tm) =	ssettm $0x1  }
0x91: {  	s18 =	sld [smem:$0x3FFB];
	_ =	sdelay $0x3  }
0x92: {  	_ =	strace s18  }
0x93: {  	s2 =	sld [smem:$0x3FFC];
	_ =	sdelay $0x3  }
0x94: {  	_ =	strace s2  }
0x95: {  	s2 =	sld [smem:$0x3FFD];
	_ =	sdelay $0x3  }
0x96: {  	_ =	strace s2  }
0x97: {  	_ =	strace $0x8FFFFFFF  }
0x98: {  	s19 =	sld [smem:$0x3FDB];
	_ =	sdelay $0x1  }
0x99: {  	s20 =	simm.s32 $_scs_section_size  }
0x9a: {  	s4 =	simm.s32 $_size__tile_overlayer_lowered;
	s5 =	simm.s32 $_tile_overlayer_lowered  }
0x9b: {  	s6 =	simm.s32 $0x1BFF;
	s21 =	sshll.u32 s5, $0x1;
	s3 =	sadd.s32 s20, s19  }
0x9c: {  	s22 =	simm.s32 $0x0;
	s4 =	sshll.u32 s4, $0x1;
	s5 =	sadd.s32 s21, s3  }
0x9d: {  	[timem:s22], [sflag:s6] =	dma.local [hbm:s5], s4  }
0x9e: {  	_ =	swait.ge [sflag:s6], s4  }
0x9f: {  	s4 =	ssub.s32 $0x0, s4;
	[sflag:s6] =	ssyncset.done $0x0  }
0xa0: {  	[sflag:s6] =	ssyncadd.s32 s4;
	_ =	sdelay $0x1  }
0xa1: {  	s23 =	simm.s32 $0x1B8B  }
0xa2: {  	_ =	swait.ge [sflag:s23], $0x1  }
0xa3: {  	[sflag:s23] =	ssyncset.done $0x0  }
0xa4: {  	[sflag:s23] =	ssyncadd.s32 $0xFFFFFFFF  }
0xa5: {  	s4 =	sld [smem:$0x0]  }
0xa6: {  	s5 =	sand.u32 $0xFFFFFFFE, s1  }
0xa7: {  	p0 =	sne.s32 s1, s5  }
0xa8: {  	s5 =	sshll.u32 @p0 s5, $0xE  }
0xa9: {  	s5 =	sadd.s32 @p0 $0x11B8D, s5;
	s6 =	sshll.u32 @p0 s4, $0x11  }
0xaa: {  	s5 =	sor.u32 @p0 s6, s5  }
0xab: {  	[sflag:s5] =	ssyncadd.remote.s32 @p0 $0x1;
	_ =	sdelay $0x1  }
0xac: {  	s5 =	simm.s32 @p0 $0x1B8D  }
0xad: {  	_ =	swait.eq @p0 [sflag:s5], $0x1  }
0xae: {  	[sflag:s5] =	ssyncadd.s32 @p0 $0xFFFFFFFF  }
0xaf: {  	s6 =	sshll.u32 @!p0 s1, $0xE  }
0xb0: {  	s6 =	sor.u32 @!p0 $0x4000, s6;
	s5 =	simm.s32 @!p0 $0x1B8D  }
0xb1: {  	s4 =	sshll.u32 @!p0 s4, $0x11;
	s6 =	sadd.s32 @!p0 $0x11B8D, s6;
	_ =	swait.eq @!p0 [sflag:s5], $0x1  }
0xb2: {  	s4 =	sor.u32 @!p0 s4, s6;
	[sflag:s5] =	ssyncadd.s32 @!p0 $0xFFFFFFFF  }
0xb3: {  	s25 =	simm.s32 $0x1B8E;
	s24 =	sld [smem:$0x3FFE];
	[sflag:s4] =	ssyncadd.remote.s32 @!p0 $0x1  }
0xb4: {  	s26 =	simm.s32 $execute0_lowered;
	[smem:$0x3FD2] =	sst s25  }
0xb5: {  	s5 =	sshll.u32 s26, $0x1;
	_ =	strace $0x80000055;
	[dreg:$0x1] =	wrdreg $0xFFFFFFFF  }
0xb6: {  	s28 =	simm.s32 $_size_execute0_lowered;
	s3 =	sadd.s32 s3, s5;
	[dreg:$0x0] =	wrdreg $0x0  }
0xb7: {  	s5 =	sshll.u32 s28, $0x1;
	[dreg:$0x2] =	wrdreg s3  }
0xb8: {  	[dreg:$0x3] =	wrdreg s5  }
0xb9: {  	[dreg:$0x4] =	wrdreg $0xC0  }
0xba: {  	_ =	task [dreg:s22], $0x5FFFF  }
0xbb: {  	[dreg:$0x1] =	wrdreg $0xFFFFFFFF  }
0xbc: {  	[dreg:$0x0] =	wrdreg $0x60  }
0xbd: {  	[dreg:$0x2] =	wrdreg s24  }
0xbe: {  	[dreg:$0x3] =	wrdreg $0xD  }
0xbf: {  	_ =	task.clear_ibuf [dreg:s22], $0x4FFFF;
	_ =	strace $0x90000055  }
0xc0: {  	s29 =	simm.s32 $0xD;
	_ =	strace $0x80000057  }
0xc1: {  	_ =	swait.ge [sflag:s29], $0x1  }
0xc2: {  	[sflag:s29] =	ssyncadd.s32 $0xFFFFFFFF  }
0xc3: {  	_ =	strace $0x90000057  }
0xc4: {  	_ =	sfence  }
0xc5: {  	s30 =	sld [smem:$0x0];
	_ =	sdelay $0x2  }
0xc6: {  	s31 =	sshll.u32 s1, $0xD;
	s1 =	sshrl.u32 s1, $0x2  }
0xc7: {  	s4 =	sand.u32 $0x4000, s31;
	s1 =	sadd.s32 s1, s30  }
0xc8: {  	s0 =	sor.u32 s4, s0;
	s1 =	sshll.u32 s1, $0x11  }
0xc9: {  	s0 =	sor.u32 s1, s0  }
0xca: {  	s0 =	sadd.s32 $0x8F2B, s0  }
0xcb: {  	[sflag:s0] =	ssyncadd.remote.s32 $0x1  }
0xcc: {  	_ =	sfence.sel $0xFFFF  }
0xcd: {  	[dreg:$0x0] =	wrdreg $0xFFFFFFFF;
	(pc) =	sbr.abs _section_cstart, $3  }
0xce: {  	[dreg:$0x1] =	wrdreg $0xFFFFFFFF  }
0xcf: {  	_ =	task.clear_ibuf [dreg:s22], $0x2FFFF;
	_ =	strace $0x9FFFFFFF  }
0xd0: {  	(tm) =	ssettm $0x7FFFFFFF  }
0xd1: {  	_ =	shalt  }
tec
execute0_lowered:
.L_overlay_start_1:
0x0: {  	(tag) =	ssettag $0x1  }
0x1: {  	s7 =	rddreg [dreg:$0x0]  }
0x2: {  	s1 =	srdreg.scid;
	s0 =	rddreg [dreg:$0x1]  }
0x3: {  	_ =	strace $0x80000056;
	s3 =	simm.s32 $0x1;
	s5 =	simm.s32 $0x2  }
0x4: {  	s9 =	simm.s32 $0x3;
	s11 =	simm.s32 $0x0;
	s2 =	sshll.u32 s1, $0x4  }
.Ltmp0:
0x5: {  	s1 =	stileid.u32;
	s4 =	sand.u32 $0x10, s2;
	(pc) =	sbr.rel .LBB2_1-.Ltmp0, $4  }
0x6: {  	p0 =	por $0x0, $0x0;
	[sflag:s3] =	ssyncpa.u1 $0x0;
	s4 =	sor.u32 s1, s4  }
0x7: {  	s6 =	sadd.s32 $0x19000, s7;
	[sflag:s5] =	ssyncpa.u1 $0x0;
	s4 =	smul.u32 $0xD00, s4  }
0x8: {  	s2 =	sadd.s32 $0xDC4000, s7;
	s7 =	sadd.s32 $0x115A400, s7;
	[sflag:s9] =	ssyncpa.u1 $0x0  }
0x9: {  	vm0 =	vmmov $0xff;
	vm1 =	vcmask $0x3F20;
	s9 =	simm.s32 $0x0;
	s8 =	sadd.s32 $0xD00, s4;
	s10 =	smov.u32 s4  }
.LBB2_6:
0xa: {  	[hbm:s15] =	stream.linear.scatter [tilespmem:s12], [sflag:$0x3], $0x400, $0x38;
	[tilespmem:$0x1A340] =	vst v63  }
.LBB2_7:
0xb: {  	p1 =	slt.u32 s9, $0x2;
	s11 =	sadd.s32 $0x1A0, s10  }
0xc: {  	s13 =	smov.u32 s4;
	s9 =	sadd.s32 $0x1, s9;
	p2 =	slt.s32 s11, s8  }
0xd: {  	s13 =	smov.u32 @p2 s11;
	p2 =	sne.s32 s9, $0xA  }
.Ltmp1:
0xe: {  	_ = 	snop;
	(pc) =	sbr.rel @!p2 .LBB2_8-.Ltmp1, $4  }
0xf: {  	s12 =	simm.s32 @!p1 $0x3  }
0x10: {  	_ =	swait.ge @!p1 [sflag:s12], $0xD000  }
0x11: {  	p0 =	por !p0, !p0;
	[sflag:s12] =	ssyncset.done @!p1 $0x0  }
0x12: {  	s11 =	smov.u32 s10;
	s10 =	smov.u32 s13;
	[sflag:s12] =	ssyncadd.s32 @!p1 $0xFFFF3000  }
.LBB2_1:
0x13: {  	p1 =	sgt.u32 s9, $0x7  }
0x14: {  	s12 =	sxor.u32 @!p1 $0xFFFFFFFF, s9  }
0x15: {  	s12 =	sand.u32 @!p1 $0x1, s12  }
0x16: {  	s12 =	smul.u32 @!p1 $0x680, s12  }
0x17: {  	s31 =	sadd.s32 $0xFFFFFFFF, s9;
	s13 =	sshrl.u32 @!p1 s10, $0x3  }
0x18: {  	s14 =	sand.u32 @!p1 $0x7, s10;
	s13 =	sadd.s32 @!p1 s6, s13;
	s12 =	sshrl.u32 @!p1 s12, $0x2  }
0x19: {  	[tilespmem:s12], [sflag:$0x2] =	stream.linear.gather @!p1 [hbm4b:s13+s14], $0x1A0, $0x38;
	[tilespmem:$0x1A340] =	vst v63  }
0x1a: {  	p1 =	sgt.u32 s31, $0x7  }
.Ltmp2:
0x1b: {  	_ = 	snop;
	(pc) =	sbr.rel @p1 .LBB2_7-.Ltmp2, $1  }
0x1c: {  	_ =	sdelay $0x3  }
0x1d: {  	s12 =	simm.s32 $0x1  }
0x1e: {  	s12 =	simm.s32 @!p0 $0x0  }
0x1f: {  	s13 =	smul.u32 $0x680, s12  }
0x20: {  	_ =	swait.ge [sflag:s5], $0x1A0  }
0x21: {  	[sflag:s5] =	ssyncset.done $0x0;
	s14 =	sshrl.u32 s13, $0x2  }
0x22: {  	[sflag:s5] =	ssyncadd.s32 $0xFFFFFE60;
	s13 =	sadd.s32 $0x0, s14  }
0x23: {  	v0 =	vld.msk [tilespmem:s13+$0x0 ss:$0x1], $0xffff;
	_ =	sdelay $0x4  }
0x24: {  	vm2 =	vgt.s32 v0, $0x0  }
0x25: {  	v0 =	vnsel vm2, $0x0, v0  }
0x26: {  	v0 =	vmin.u32 v0, $0x1963F  }
0x27: {  	v0 =	vshll.u32 v0, $0x4  }
0x28: {  	s12 =	smul.u32 $0x34000, s12;
	_ =	sdelay $0x1  }
0x29: {  	s12 =	sshrl.u32 s12, $0x2  }
0x2a: {  	s12 =	sor.u32 $0x340, s12  }
0x2b: {  	[tilespmem:s12], [sflag:$0x1] =	stream.indirect_vreg.gather [hbm:s2], $0x80, v0, vm0, $0x38;
	[tilespmem:$0x1A340] =	vst v63  }
0x2c: {  	s15 =	sadd.s32 $0x10, s14;
	s13 =	sadd.s32 $0x400, s12  }
0x2d: {  	[tilespmem:s13], [sflag:$0x1] =	stream.indirect_vreg.gather [hbm:s2], $0x80, v0, vm1, $0x38;
	[tilespmem:$0x1A340] =	vst v63  }
0x2e: {  	s16 =	simm.s32 $0x80;
	v0 =	vld.msk [tilespmem:s15+$0x0 ss:$0x1], $0xffff;
	s15 =	smov.u32 s12  }
.LBB2_3:
0x2f: {  	p1 =	sne.s32 s16, $0x640;
	_ =	sdelay $0x4  }
0x30: {  	vm2 =	vgt.s32 v0, $0x0  }
0x31: {  	v0 =	vnsel vm2, $0x0, v0  }
0x32: {  	v0 =	vmin.u32 v0, $0x1963F  }
0x33: {  	v0 =	vshll.u32 v0, $0x4;
	_ =	sdelay $0x3  }
.Ltmp3:
0x34: {  	s17 =	sshra.s32 s16, $0x2;
	s15 =	sadd.s32 $0x800, s15;
	(pc) =	sbr.rel @p1 .LBB2_3-.Ltmp3, $4  }
0x35: {  	[tilespmem:s15], [sflag:$0x1] =	stream.indirect_vreg.gather [hbm:s2], $0x80, v0, vm0, $0x38;
	[tilespmem:$0x1A340] =	vst v63  }
0x36: {  	s17 =	sadd.s32 s17, s14;
	s18 =	sadd.s32 $0x400, s15  }
0x37: {  	[tilespmem:s18], [sflag:$0x1] =	stream.indirect_vreg.gather [hbm:s2], $0x80, v0, vm1, $0x38;
	[tilespmem:$0x1A340] =	vst v63  }
0x38: {  	s16 =	sadd.s32 $0x40, s16;
	v0 =	vld.msk [tilespmem:s17+$0x0 ss:$0x1], $0xffff  }
0x39: {  	_ =	sdelay $0x3  }
0x3a: {  	vm2 =	vgt.s32 v0, $0x0  }
0x3b: {  	v0 =	vnsel vm2, $0x0, v0  }
0x3c: {  	v0 =	vmin.u32 v0, $0x1963F  }
0x3d: {  	v0 =	vshll.u32 v0, $0x4;
	_ =	sdelay $0x3  }
0x3e: {  	s14 =	sadd.s32 $0x800, s15  }
0x3f: {  	[tilespmem:s14], [sflag:$0x1] =	stream.indirect_vreg.gather [hbm:s2], $0x80, v0, vm0, $0x38;
	[tilespmem:$0x1A340] =	vst v63  }
0x40: {  	s14 =	sadd.s32 $0x400, s14  }
0x41: {  	[tilespmem:s14], [sflag:$0x1] =	stream.indirect_vreg.gather [hbm:s2], $0x80, v0, vm1, $0x38;
	[tilespmem:$0x1A340] =	vst v63  }
0x42: {  	s11 =	sshll.u32 s11, $0x4;
	_ =	swait.ge [sflag:s3], $0xD000  }
0x43: {  	s11 =	sadd.s32 s11, s7;
	[sflag:s3] =	ssyncset.done $0x0  }
0x44: {  	s15 =	sadd.s32 $0x0, s11;
	s14 =	simm.s32 $0x80;
	[sflag:s3] =	ssyncadd.s32 $0xFFFF3000  }
.LBB2_5:
0x45: {  	[hbm:s15] =	stream.linear.scatter [tilespmem:s12], [sflag:$0x3], $0x400, $0x38;
	[tilespmem:$0x1A340] =	vst v63  }
0x46: {  	s15 =	smov.u32 s14;
	s12 =	smov.u32 s13;
	p1 =	sne.s32 s14, $0x1980  }
.Ltmp4:
0x47: {  	s14 =	sadd.s32 $0x80, s14;
	(pc) =	sbr.rel @p1 .LBB2_5-.Ltmp4, $2  }
0x48: {  	_ =	sdelay $0x2  }
0x49: {  	s13 =	sadd.s32 $0x400, s13;
	s15 =	sadd.s32 s15, s11  }
.Ltmp5:
0x4a: {  	_ = 	snop;
	(pc) =	sbr.rel .LBB2_6-.Ltmp5, $1  }
0x4b: {  	_ =	sdelay $0x3  }
.LBB2_8:
0x4c: {  	_ =	sfence.sel $0x180000  }
0x4d: {  	s2 =	simm.s32 $0x2;
	[bflag:$0x0] =	sbarrier.arrive $0xFFFF  }
0x4e: {  	s30 =	simm.s32 $0x3;
	[sflag:s2] =	ssyncpa.u1 $0x1  }
0x4f: {  	s31 =	simm.s32 $0x1;
	[sflag:s30] =	ssyncpa.u1 $0x1  }
0x50: {  	[sflag:s31] =	ssyncpa.u1 $0x1  }
0x51: {  	p0 =	sne.s32 s1, $0x0;
	_ =	strace $0x90000056  }
0x52: {  	s0 =	sadd.s32 @!p0 $0x100000, s0;
	[bflag:$0x2] =	sbarrier.arrive $0xFFFF  }
0x53: {  	[sflag:s0] =	ssyncadd.tile.s32 @!p0 $0x1;
	_ =	shalt  }
.Lfunc_end2:
_tile_overlayer_lowered:
.L_overlay_start_2:
0x54: {  	(tag) =	ssettag $0x2  }
0x55: {  	s0 =	rddreg [dreg:$0x0];
	s2 =	stileid.u32  }
0x56: {  	s1 =	rddreg [dreg:$0x1];
	p0 =	sne.s32 s2, $0x0  }
0x57: {  	s3 =	rddreg [dreg:$0x2];
	[bflag:$0x3] =	sbarrier.arrive $0xFFFF;
	s2 =	simm.s32 @!p0 $0x1C01  }
0x58: {  	[timem:s3], [sflag:s2] =	dma.local @!p0 [hbm:s0], s1  }
0x59: {  	s0 =	simm.s32 @!p0 $0x1  }
0x5a: {  	_ =	swait.ge @!p0 [sflag:s0], s1  }
0x5b: {  	s1 =	ssub.s32 @!p0 $0x0, s1;
	[sflag:s0] =	ssyncset.done @!p0 $0x0  }
0x5c: {  	[sflag:s0] =	ssyncadd.s32 @!p0 s1  }
0x5d: {  	[bflag:$0x3] =	sbarrier.arrive $0xFFFF  }
0x5e: {  	_ =	shalt  }

// kernel: gather_offload_async_start
scs
__scs_entry_jumppad:
0x0: {  	(pc) =	sbr.rel $0x88, $3  }
0x1: {  	(tag) =	ssettag $0x0;
	lr =	simm.s32 $0x1  }
0x2: {  	[smem:$0x3F9B] =	sst lr;
	_ =	strace $0xD0000000  }
0x3: {  	_ = 	snop  }
0x4: {  	_ = 	snop  }
0x5: {  	_ = 	snop  }
0x6: {  	_ = 	snop  }
0x7: {  	_ = 	snop  }
__scs_overlays_trampoline_lowered:
0x8: {  	[smem:$0x3FAA] =	sst s0  }
0x9: {  	[smem:$0x3FAB] =	sst s1  }
0xa: {  	[smem:$0x3FAC] =	sst s2  }
0xb: {  	[smem:$0x3FAD] =	sst s3  }
0xc: {  	[smem:$0x3FAE] =	sst s4  }
0xd: {  	[smem:$0x3FAF] =	sst s5  }
0xe: {  	[smem:$0x3FB0] =	sst s6  }
0xf: {  	[smem:$0x3FB1] =	sst s7  }
0x10: {  	[smem:$0x3FB2] =	sst s8  }
0x11: {  	[smem:$0x3FB3] =	sst s9;
	s0 =	simm.s32 @!p0 $0x0  }
0x12: {  	s1 =	sld [smem:$0x3F99];
	s0 =	simm.s32 @p0 $0x1  }
0x13: {  	[smem:$0x3FB4] =	sst s0;
	s0 =	simm.s32 @!p1 $0x0  }
0x14: {  	s2 =	sld [smem:$0x3F98];
	s0 =	simm.s32 @p1 $0x1  }
0x15: {  	[smem:$0x3FB5] =	sst s0;
	s0 =	simm.s32 @!p2 $0x0  }
0x16: {  	s3 =	sld [smem:$0x3FDB];
	s0 =	simm.s32 @p2 $0x1  }
0x17: {  	s4 =	simm.s32 $0x1BF5;
	[smem:$0x3FB7] =	sst s0  }
0x18: {  	s0 =	sld [smem:$0x3F9A];
	_ =	swait.ge [sflag:s4], $0x0  }
0x19: {  	s7 =	sld [smem:$0x3F9B]  }
0x1a: {  	s8 =	sadd.s32 $0xFFFFE003, lr  }
0x1b: {  	s9 =	sadd.s32 $0xFFFFFEF7, lr;
	s5 =	simm.s32 $0xFFFFFFFF;
	p2 =	slt.u32 s8, $0xFFFFF086  }
0x1c: {  	p1 =	slt.u32 s9, $0xF7A;
	s5 =	simm.s32 @!p2 $0x0  }
0x1d: {  	s5 =	simm.s32 @p1 $0x1;
	p0 =	seq.s32 s7, s2  }
0x1e: {  	s7 =	smul.u32 @!p0 $0xF7A, s2;
	p2 =	seq.s32 @!p0 s5, $0x0  }
0x1f: {  	s9 =	smul.u32 $0xF7A, s1;
	s8 =	simm.s32 @!p0 $0x1BF5;
	p2 =	por !p2, p0  }
0x20: {  	[sflag:s8] =	ssyncset.s32 @!p0 $0xFFFFF086;
	s6 =	sadd.s32 @!p0 s3, s7;
	s7 =	simm.s32 @!p0 $0x108  }
0x21: {  	s3 =	sadd.s32 s3, s9;
	s6 =	sadd.s32 @!p0 $0x88, s6;
	s7 =	simm.s32 @p2 $0x1082  }
0x22: {  	[simem:s7], [sflag:s8] =	dma.local @!p0 [hbm:s6], $0xF7A  }
0x23: {  	s9 =	sor.u32 $0xD0000000, s2;
	s6 =	simm.s32 $0x108;
	_ =	swait.ge @!p0 [sflag:s8], $0x0  }
0x24: {  	s3 =	sadd.s32 $0x88, s3;
	s6 =	simm.s32 @!p1 $0x1082;
	[sflag:s4] =	ssyncset.s32 $0xFFFFF086  }
0x25: {  	[simem:s6], [sflag:s4] =	dma.local [hbm:s3], $0xF7A  }
0x26: {  	[smem:$0x3F9B] =	sst s1;
	(tag) =	ssettag s2;
	_ =	strace s9  }
0x27: {  	s1 =	sld [smem:$0x3FAB]  }
0x28: {  	s2 =	sld [smem:$0x3FAC]  }
0x29: {  	s4 =	sld [smem:$0x3FAE]  }
0x2a: {  	p0 =	seq.s32 s5, $0x0;
	s5 =	sld [smem:$0x3FAF]  }
0x2b: {  	s6 =	sld [smem:$0x3FB0]  }
0x2c: {  	s7 =	sld [smem:$0x3FB1]  }
0x2d: {  	s3 =	simm.s32 $0x108;
	s8 =	sld [smem:$0x3FB2]  }
0x2e: {  	s3 =	simm.s32 @!p0 $0x1082;
	s9 =	sld [smem:$0x3FB3]  }
0x2f: {  	lr =	sadd.s32 s0, s3;
	s0 =	sld [smem:$0x3FAA]  }
0x30: {  	s3 =	sld [smem:$0x3FAD]  }
0x31: {  	[smem:$0x3FB6] =	sst s10  }
0x32: {  	s10 =	sld [smem:$0x3FB4];
	_ =	sdelay $0x3  }
0x33: {  	p0 =	seq.s32 s10, $0x1;
	s10 =	sld [smem:$0x3FB6];
	_ =	sdelay $0x3  }
0x34: {  	[smem:$0x3FB6] =	sst s10  }
0x35: {  	s10 =	sld [smem:$0x3FB5];
	_ =	sdelay $0x3  }
0x36: {  	p1 =	seq.s32 s10, $0x1;
	s10 =	sld [smem:$0x3FB6];
	_ =	sdelay $0x3  }
0x37: {  	[smem:$0x3FB6] =	sst s10  }
0x38: {  	s10 =	sld [smem:$0x3FB7]  }
0x39: {  	_ = 	snop;
	(pc) =	sbr.ind lr, $3  }
0x3a: {  	_ = 	snop  }
0x3b: {  	_ = 	snop  }
0x3c: {  	p2 =	seq.s32 s10, $0x1;
	s10 =	sld [smem:$0x3FB6]  }
0x3d: {  	_ =	shalt  }
0x3e: {  	_ =	shalt  }
0x3f: {  	_ =	shalt  }
0x40: {  	_ =	shalt  }
0x41: {  	_ =	shalt  }
0x42: {  	_ =	shalt  }
0x43: {  	_ =	shalt  }
0x44: {  	_ =	shalt  }
0x45: {  	_ =	shalt  }
0x46: {  	_ =	shalt  }
0x47: {  	_ =	shalt  }
0x48: {  	_ =	shalt  }
0x49: {  	_ =	shalt  }
0x4a: {  	_ =	shalt  }
0x4b: {  	_ =	shalt  }
0x4c: {  	_ =	shalt  }
0x4d: {  	_ =	shalt  }
0x4e: {  	_ =	shalt  }
0x4f: {  	_ =	shalt  }
0x50: {  	_ =	shalt  }
0x51: {  	_ =	shalt  }
0x52: {  	_ =	shalt  }
0x53: {  	_ =	shalt  }
0x54: {  	_ =	shalt  }
0x55: {  	_ =	shalt  }
0x56: {  	_ =	shalt  }
0x57: {  	_ =	shalt  }
0x58: {  	_ =	shalt  }
0x59: {  	_ =	shalt  }
0x5a: {  	_ =	shalt  }
0x5b: {  	_ =	shalt  }
0x5c: {  	_ =	shalt  }
0x5d: {  	_ =	shalt  }
0x5e: {  	_ =	shalt  }
0x5f: {  	_ =	shalt  }
0x60: {  	_ =	shalt  }
0x61: {  	_ =	shalt  }
0x62: {  	_ =	shalt  }
0x63: {  	_ =	shalt  }
0x64: {  	_ =	shalt  }
0x65: {  	_ =	shalt  }
0x66: {  	_ =	shalt  }
0x67: {  	_ =	shalt  }
0x68: {  	_ =	shalt  }
0x69: {  	_ =	shalt  }
0x6a: {  	_ =	shalt  }
0x6b: {  	_ =	shalt  }
0x6c: {  	_ =	shalt  }
0x6d: {  	_ =	shalt  }
0x6e: {  	_ =	shalt  }
0x6f: {  	_ =	shalt  }
0x70: {  	_ =	shalt  }
0x71: {  	_ =	shalt  }
0x72: {  	_ =	shalt  }
0x73: {  	_ =	shalt  }
0x74: {  	_ =	shalt  }
0x75: {  	_ =	shalt  }
0x76: {  	_ =	shalt  }
0x77: {  	_ =	shalt  }
0x78: {  	_ =	shalt  }
0x79: {  	_ =	shalt  }
0x7a: {  	_ =	shalt  }
0x7b: {  	_ =	shalt  }
0x7c: {  	_ =	shalt  }
0x7d: {  	_ =	shalt  }
0x7e: {  	_ =	shalt  }
0x7f: {  	_ =	shalt  }
0x80: {  	_ =	shalt  }
0x81: {  	_ =	shalt  }
0x82: {  	_ =	shalt  }
0x83: {  	_ =	shalt  }
0x84: {  	_ =	shalt  }
0x85: {  	_ =	shalt  }
0x86: {  	_ =	shalt  }
0x87: {  	_ =	shalt  }
.Lfunc_end0:
.L_simem_size_0:
called_computation_lowered:
.L_overlay_start_0:
0x88: {  	s2 =	sld [smem:$0x3FD9]  }
0x89: {  	s3 =	sld [smem:$0x3FFE];
	_ =	sdelay $0x1  }
0x8a: {  	s1 =	srdreg.scid  }
0x8b: {  	s0 =	sand.u32 $0x1, s1  }
0x8c: {  	s17 =	sshll.u32 s0, $0xA;
	s2 =	sadd.s32 s3, s2  }
0x8d: {  	s2 =	sadd.s32 s2, s17  }
0x8e: {  	[smem:$0x3FC2] =	sst s2  }
0x8f: {  	_ = 	snop  }
0x90: {  	s2 =	sld [smem:$0x3FC5];
	(tm) =	ssettm $0x1  }
0x91: {  	s18 =	sld [smem:$0x3FFB];
	_ =	sdelay $0x3  }
0x92: {  	_ =	strace s18  }
0x93: {  	s3 =	sld [smem:$0x3FFC];
	_ =	sdelay $0x3  }
0x94: {  	_ =	strace s3  }
0x95: {  	s3 =	sld [smem:$0x3FFD];
	_ =	sdelay $0x3  }
0x96: {  	_ =	strace s3  }
0x97: {  	_ =	strace $0x8FFFFFFF  }
0x98: {  	s19 =	sld [smem:$0x3FDB];
	_ =	sdelay $0x1  }
0x99: {  	s4 =	simm.s32 $_scs_section_size  }
0x9a: {  	s5 =	simm.s32 $_size__tile_overlayer_lowered;
	s6 =	simm.s32 $_tile_overlayer_lowered  }
0x9b: {  	s22 =	simm.s32 $0x1BFF;
	s21 =	sshll.u32 s6, $0x1;
	s3 =	sadd.s32 s4, s19  }
0x9c: {  	s7 =	simm.s32 $0x0;
	s20 =	sshll.u32 s5, $0x1;
	s5 =	sadd.s32 s21, s3  }
0x9d: {  	[timem:s7], [sflag:s22] =	dma.local [hbm:s5], s20  }
0x9e: {  	_ =	swait.ge [sflag:s22], s20  }
0x9f: {  	s4 =	ssub.s32 $0x0, s20;
	[sflag:s22] =	ssyncset.done $0x0  }
0xa0: {  	[sflag:s22] =	ssyncadd.s32 s4;
	_ =	sdelay $0x1  }
0xa1: {  	s23 =	simm.s32 $0x1B8B  }
0xa2: {  	_ =	swait.ge [sflag:s23], $0x1  }
0xa3: {  	[sflag:s23] =	ssyncset.done $0x0  }
0xa4: {  	s25 =	simm.s32 $0x1B8E;
	s24 =	sld [smem:$0x3FFE];
	[sflag:s23] =	ssyncadd.s32 $0xFFFFFFFF  }
0xa5: {  	s26 =	simm.s32 $execute0_lowered;
	[smem:$0x3FD2] =	sst s25  }
0xa6: {  	s5 =	sshll.u32 s26, $0x1;
	_ =	strace $0x80000046;
	[dreg:$0x1] =	wrdreg $0xFFFFFFFF  }
0xa7: {  	s28 =	simm.s32 $_size_execute0_lowered;
	s3 =	sadd.s32 s3, s5;
	[dreg:$0x0] =	wrdreg $0x0  }
0xa8: {  	s5 =	sshll.u32 s28, $0x1;
	[dreg:$0x2] =	wrdreg s3  }
0xa9: {  	[dreg:$0x3] =	wrdreg s5  }
0xaa: {  	[dreg:$0x4] =	wrdreg $0xC0  }
0xab: {  	_ =	task [dreg:s7], $0x5FFFF  }
0xac: {  	[dreg:$0x1] =	wrdreg $0xFFFFFFFF  }
0xad: {  	[dreg:$0x0] =	wrdreg $0x60  }
0xae: {  	[dreg:$0x2] =	wrdreg s2  }
0xaf: {  	[dreg:$0x3] =	wrdreg s24  }
0xb0: {  	[dreg:$0x4] =	wrdreg $0xD  }
0xb1: {  	_ =	task.clear_ibuf [dreg:s7], $0x5FFFF;
	_ =	strace $0x90000046  }
0xb2: {  	s29 =	simm.s32 $0xD;
	_ =	strace $0x80000048  }
0xb3: {  	_ =	swait.ge [sflag:s29], $0x1  }
0xb4: {  	[sflag:s29] =	ssyncadd.s32 $0xFFFFFFFF  }
0xb5: {  	_ =	strace $0x90000048  }
0xb6: {  	_ =	sfence  }
0xb7: {  	s30 =	sld [smem:$0x0];
	_ =	sdelay $0x2  }
0xb8: {  	s31 =	sshll.u32 s1, $0xD;
	s1 =	sshrl.u32 s1, $0x2  }
0xb9: {  	s3 =	sand.u32 $0x4000, s31;
	s1 =	sadd.s32 s1, s30  }
0xba: {  	s0 =	sor.u32 s3, s0;
	s1 =	sshll.u32 s1, $0x11  }
0xbb: {  	s0 =	sor.u32 s1, s0  }
0xbc: {  	s0 =	sadd.s32 $0x8F2B, s0  }
0xbd: {  	[sflag:s0] =	ssyncadd.remote.s32 $0x1  }
0xbe: {  	_ =	sfence.sel $0xFFFF  }
0xbf: {  	[dreg:$0x0] =	wrdreg $0xFFFFFFFF;
	(pc) =	sbr.abs _section_cstart, $3  }
0xc0: {  	[dreg:$0x1] =	wrdreg $0xFFFFFFFF  }
0xc1: {  	_ =	task.clear_ibuf [dreg:s7], $0x2FFFF;
	_ =	strace $0x9FFFFFFF  }
0xc2: {  	(tm) =	ssettm $0x7FFFFFFF  }
0xc3: {  	_ =	shalt  }
tec
execute0_lowered:
.L_overlay_start_1:
0x0: {  	(tag) =	ssettag $0x1  }
0x1: {  	s1 =	srdreg.scid;
	s2 =	rddreg [dreg:$0x0]  }
0x2: {  	s0 =	stileid.u32;
	s5 =	rddreg [dreg:$0x1];
	s6 =	simm.s32 $0x1  }
0x3: {  	s9 =	simm.s32 $0x1;
	s10 =	simm.s32 $0x3;
	s1 =	sshll.u32 s1, $0xB  }
0x4: {  	s13 =	simm.s32 $0x0;
	s3 =	sshll.u32 s0, $0xC;
	s4 =	sand.u32 $0x800, s1  }
0x5: {  	s12 =	simm.s32 $0x0;
	s1 =	rddreg [dreg:$0x2];
	s3 =	sor.u32 s3, s4  }
0x6: {  	_ =	strace $0x80000047;
	s4 =	sadd.s32 $0x19000, s5;
	s8 =	ssub.s32 $0x1A000, s3  }
.Ltmp0:
0x7: {  	s5 =	sadd.s32 $0x27E000, s5;
	s7 =	sand.u32 $0xF800, s8;
	(pc) =	sbr.rel .LBB2_1-.Ltmp0, $4  }
0x8: {  	[sflag:s6] =	ssyncpa.u1 $0x0;
	s11 =	smov.u32 s3;
	p0 =	sne.s32 s7, $0x0  }
0x9: {  	s8 =	sshrl.u32 s8, $0x10;
	s7 =	simm.s32 $0x2;
	s9 =	simm.s32 @!p0 $0x0  }
0xa: {  	[sflag:s7] =	ssyncpa.u1 $0x0;
	p0 =	por $0x0, $0x0;
	s8 =	sadd.s32 s9, s8  }
0xb: {  	vm0 =	vmmov $0xffff;
	[sflag:s10] =	ssyncpa.u1 $0x0;
	s10 =	simm.s32 $0x0;
	s9 =	sadd.s32 $0x1, s8  }
.LBB2_4:
0xc: {  	v2 =	vnsel vm1, $0x0, v2  }
0xd: {  	vm1 =	vgt.s32 v0, $0x0;
	v2 =	vmin.u32 v2, $0x1963F  }
0xe: {  	v0 =	vnsel vm1, $0x0, v0  }
0xf: {  	v0 =	vmin.u32 v0, $0x1963F  }
0x10: {  	[tilespmem:s15], [sflag:$0x1] =	stream.indirect_vreg.gather [hbm4b:s2+s10], $0x1, v1, vm0, $0x4038;
	[tilespmem:$0x2000] =	vst v63  }
0x11: {  	(ifvalue) =	ssetifvalue $0x7FFFFFFF  }
0x12: {  	[tilespmem:s16], [sflag:$0x1] =	stream.indirect_vreg.gather [hbm4b:s2+s10], $0x1, v2, vm0, $0x4038;
	[tilespmem:$0x2000] =	vst v63  }
0x13: {  	s29 =	sadd.s32 $0x10, s16;
	(ifvalue) =	ssetifvalue $0x7FFFFFFF  }
0x14: {  	[tilespmem:s29], [sflag:$0x1] =	stream.indirect_vreg.gather [hbm4b:s2+s10], $0x1, v0, vm0, $0x4038;
	[tilespmem:$0x2000] =	vst v63  }
0x15: {  	_ =	swait.ge [sflag:s6], $0x800  }
0x16: {  	s30 =	sshrl.u32 s13, $0x3;
	[sflag:s6] =	ssyncset.done $0x0  }
0x17: {  	s31 =	sand.u32 $0x7, s13;
	s15 =	sadd.s32 s5, s30;
	[sflag:s6] =	ssyncadd.s32 $0xFFFFF800  }
0x18: {  	[hbm4b:s15+s31] =	stream.linear.scatter [tilespmem:s14], [sflag:$0x3], $0x800, $0x38;
	[tilespmem:$0x2000] =	vst v63  }
.LBB2_5:
0x19: {  	s15 =	sadd.s32 $0x10000, s11  }
0x1a: {  	p2 =	sgt.s32 s15, $0x19FFF  }
0x1b: {  	s15 =	smov.u32 @p2 s3;
	p2 =	sne.s32 s12, s9  }
.Ltmp1:
0x1c: {  	p1 =	slt.u32 s12, $0x2;
	(pc) =	sbr.rel @!p2 .LBB2_6-.Ltmp1, $4  }
0x1d: {  	s14 =	simm.s32 @!p1 $0x3  }
0x1e: {  	s16 =	sadd.s32 $0x1, s12;
	_ =	swait.ge @!p1 [sflag:s14], $0x800  }
0x1f: {  	s13 =	smov.u32 s11;
	p0 =	por !p0, !p0;
	[sflag:s14] =	ssyncset.done @!p1 $0x0  }
0x20: {  	s12 =	smov.u32 s16;
	s11 =	smov.u32 s15;
	[sflag:s14] =	ssyncadd.s32 @!p1 $0xFFFFF800  }
.LBB2_1:
0x21: {  	p1 =	sge.u32 s12, s8  }
0x22: {  	s14 =	sxor.u32 @!p1 $0xFFFFFFFF, s12  }
0x23: {  	s31 =	sadd.s32 $0xFFFFFFFF, s12;
	s15 =	sshrl.u32 @!p1 s11, $0x3;
	s14 =	sshll.u32 @!p1 s14, $0xB  }
0x24: {  	s16 =	sand.u32 @!p1 $0x7, s11;
	s15 =	sadd.s32 @!p1 s4, s15;
	s14 =	sand.u32 @!p1 $0x800, s14  }
0x25: {  	[tilespmem:s14], [sflag:$0x2] =	stream.linear.gather @!p1 [hbm4b:s15+s16], $0x800, $0x38;
	[tilespmem:$0x2000] =	vst v63  }
0x26: {  	p1 =	sge.u32 s31, s8  }
.Ltmp2:
0x27: {  	_ = 	snop;
	(pc) =	sbr.rel @p1 .LBB2_5-.Ltmp2, $1  }
0x28: {  	_ =	sdelay $0x3  }
0x29: {  	s14 =	simm.s32 $0x1  }
0x2a: {  	_ =	swait.ge [sflag:s7], $0x800;
	s14 =	simm.s32 @!p0 $0x0  }
0x2b: {  	[sflag:s7] =	ssyncset.done $0x0;
	s14 =	sshll.u32 s14, $0xB  }
0x2c: {  	[sflag:s7] =	ssyncadd.s32 $0xFFFFF800;
	(ifvalue) =	ssetifvalue $0x7FFFFFFF;
	v0 =	vld.msk [tilespmem:s14+$0x0 ss:$0x1], $0xffff;
	_ =	sdelay $0x4  }
0x2d: {  	s15 =	sadd.s32 $0x10, s14;
	vm1 =	vgt.s32 v0, $0x0  }
0x2e: {  	v2 =	vld.msk [tilespmem:s15+$0x0 ss:$0x1], $0xffff;
	v1 =	vnsel vm1, $0x0, v0  }
0x2f: {  	v1 =	vmin.u32 v1, $0x1963F;
	_ =	sdelay $0x1  }
0x30: {  	s16 =	sshll.u32 s12, $0xB;
	s18 =	simm.s32 $0x20  }
0x31: {  	s16 =	sand.u32 $0x800, s16;
	s17 =	sadd.s32 $0x10, s15;
	s15 =	sor.u32 $0x1000, s14  }
0x32: {  	s14 =	sor.u32 $0x1000, s16;
	s16 =	sadd.s32 $0x10, s15;
	v0 =	vld.msk [tilespmem:s17+$0x0 ss:$0x1], $0xffff;
	vm1 =	vgt.s32 v2, $0x0;
	(ifvalue) =	ssetifvalue $0x7FFFFFFF  }
.LBB2_3:
0x33: {  	[tilespmem:s15], [sflag:$0x1] =	stream.indirect_vreg.gather [hbm4b:s2+s10], $0x1, v1, vm0, $0x4038;
	[tilespmem:$0x2000] =	vst v63  }
0x34: {  	s18 =	sadd.s32 $0x10, s18  }
0x35: {  	v2 =	vnsel vm1, $0x0, v2;
	p1 =	slt.u32 s18, $0x7F0  }
.Ltmp3:
0x36: {  	s15 =	smov.u32 s16;
	v1 =	vmin.u32 v2, $0x1963F;
	(pc) =	sbr.rel @p1 .LBB2_3-.Ltmp3, $3  }
0x37: {  	_ =	sdelay $0x1  }
0x38: {  	s17 =	sadd.s32 $0x10, s17  }
0x39: {  	vm1 =	vgt.s32 v0, $0x0;
	s16 =	sadd.s32 $0x10, s16;
	v2 =	vmov v0;
	(ifvalue) =	ssetifvalue $0x7FFFFFFF;
	v0 =	vld.msk [tilespmem:s17+$0x0 ss:$0x1], $0xffff  }
.Ltmp4:
0x3a: {  	_ = 	snop;
	(pc) =	sbr.rel .LBB2_4-.Ltmp4, $1  }
0x3b: {  	_ =	sdelay $0x3  }
.LBB2_6:
0x3c: {  	_ =	sfence.sel $0x180000  }
0x3d: {  	s2 =	simm.s32 $0x2;
	[bflag:$0x0] =	sbarrier.arrive $0xFFFF  }
0x3e: {  	s30 =	simm.s32 $0x3;
	[sflag:s2] =	ssyncpa.u1 $0x1  }
0x3f: {  	s31 =	simm.s32 $0x1;
	[sflag:s30] =	ssyncpa.u1 $0x1  }
0x40: {  	[sflag:s31] =	ssyncpa.u1 $0x1  }
0x41: {  	p0 =	sne.s32 s0, $0x0;
	_ =	strace $0x90000047  }
0x42: {  	s0 =	sadd.s32 @!p0 $0x100000, s1;
	[bflag:$0x2] =	sbarrier.arrive $0xFFFF  }
0x43: {  	[sflag:s0] =	ssyncadd.tile.s32 @!p0 $0x1;
	_ =	shalt  }
.Lfunc_end2:
_tile_overlayer_lowered:
.L_overlay_start_2:
0x44: {  	(tag) =	ssettag $0x2  }
0x45: {  	s0 =	rddreg [dreg:$0x0];
	s2 =	stileid.u32  }
0x46: {  	s1 =	rddreg [dreg:$0x1];
	p0 =	sne.s32 s2, $0x0  }
0x47: {  	s3 =	rddreg [dreg:$0x2];
	[bflag:$0x3] =	sbarrier.arrive $0xFFFF;
	s2 =	simm.s32 @!p0 $0x1C01  }
0x48: {  	[timem:s3], [sflag:s2] =	dma.local @!p0 [hbm:s0], s1  }
0x49: {  	s0 =	simm.s32 @!p0 $0x1  }
0x4a: {  	_ =	swait.ge @!p0 [sflag:s0], s1  }
0x4b: {  	s1 =	ssub.s32 @!p0 $0x0, s1;
	[sflag:s0] =	ssyncset.done @!p0 $0x0  }
0x4c: {  	[sflag:s0] =	ssyncadd.s32 @!p0 s1  }
0x4d: {  	[bflag:$0x3] =	sbarrier.arrive $0xFFFF  }
0x4e: {  	_ =	shalt  }

</sc_bundles>
